<compile_context>
chip_gen: v7x
topology: tpu7x:2x2x1
jax: 0.10.2.dev20260603
libtpu: 0.0.44.dev20260713+nightly
codegen_flags: <defaults>
</compile_context>

<pallas_src>
import jax
import jax.numpy as jnp
from jax import lax
from jax.experimental import pallas as pl
from jax.experimental.pallas import tpu as pltpu
from jax.experimental.pallas import tpu_sc as plsc

_N = 10000
_D = 128
_C = 40
_NP = 10240
_E = 320000
_NW = 32
_K = 128
_CH = 79
_CH0 = 104
_CH1 = 2 * _CH - _CH0
_CHM = max(_CH0, _CH1)
_RPT = _NP // 16
_RB = 1024


def _sc_agg_body(table, src0, dst0, src1, dst1, zrows, part,
                 src_v, dst_v, rows_v, acc_sh):
    c = lax.axis_index("c")
    s = lax.axis_index("s")
    base = s * _RPT
    pltpu.sync_copy(zrows.at[pl.ds(base, _RPT)], acc_sh.at[pl.ds(base, _RPT)])

    @pl.when(c == 0)
    def _stage0():
        pltpu.sync_copy(src0.at[s], src_v.at[pl.ds(0, _CH0)])
        pltpu.sync_copy(dst0.at[s], dst_v.at[pl.ds(0, _CH0)])

    @pl.when(c == 1)
    def _stage1():
        pltpu.sync_copy(src1.at[s], src_v.at[pl.ds(0, _CH1)])
        pltpu.sync_copy(dst1.at[s], dst_v.at[pl.ds(0, _CH1)])

    plsc.subcore_barrier()
    nch = jnp.where(c == 0, _CH0, _CH1)

    def step(j, carry):
        pltpu.sync_copy(table.at[src_v.at[j]], rows_v)
        pltpu.sync_copy(rows_v, acc_sh.at[dst_v.at[j]], add=True)
        return carry

    lax.fori_loop(0, nch, step, 0)
    plsc.subcore_barrier()
    pltpu.sync_copy(acc_sh.at[pl.ds(base, _RPT)], part.at[c, pl.ds(base, _RPT)])


def _sc_deg_body(dst_r, zrows, ones_hbm, degpart, dst_v, ones_v, deg_sh):
    c = lax.axis_index("c")
    s = lax.axis_index("s")
    wid = c * 16 + s
    base = s * _RPT
    pltpu.sync_copy(zrows.at[pl.ds(base, _RPT)], deg_sh.at[pl.ds(base, _RPT)])
    pltpu.sync_copy(ones_hbm, ones_v)
    pltpu.sync_copy(dst_r.at[wid], dst_v.at[pl.ds(0, _CH)])
    plsc.subcore_barrier()

    def step(j, carry):
        pltpu.sync_copy(ones_v, deg_sh.at[dst_v.at[j]], add=True)
        return carry

    lax.fori_loop(0, _CH, step, 0)
    plsc.subcore_barrier()
    pltpu.sync_copy(deg_sh.at[pl.ds(base, _RPT)], degpart.at[c, pl.ds(base, _RPT)])


_sc_mesh = plsc.VectorSubcoreMesh(core_axis_name="c", subcore_axis_name="s")

_sc_agg = pl.kernel(
    _sc_agg_body,
    out_type=jax.ShapeDtypeStruct((2, _NP, _D), jnp.float32),
    mesh=_sc_mesh,
    scratch_types=[
        pltpu.VMEM((_CHM, _K), jnp.int32),
        pltpu.VMEM((_CHM, _K), jnp.int32),
        pltpu.VMEM((_K, _D), jnp.float32),
        pltpu.VMEM_SHARED((_NP, _D), jnp.float32),
    ],
)

_sc_deg = pl.kernel(
    _sc_deg_body,
    out_type=jax.ShapeDtypeStruct((2, _NP, _D), jnp.float32),
    mesh=_sc_mesh,
    scratch_types=[
        pltpu.VMEM((_CHM, _K), jnp.int32),
        pltpu.VMEM((_K, _D), jnp.float32),
        pltpu.VMEM_SHARED((_NP, _D), jnp.float32),
    ],
)


def _mm(a, b):
    return jnp.dot(a, b, preferred_element_type=jnp.float32)


def _dense1_body(part, degpart, xa, wl, wr, b, out):
    p = part[...]
    agg = p[0] + p[1]
    d = degpart[...]
    deg = d[0, :, 0:1] + d[1, :, 0:1]
    mean = agg / jnp.maximum(deg, 1.0)
    h = _mm(mean, wl[...]) + _mm(xa[...], wr[...]) + b[...]
    out[...] = jnp.maximum(h, 0.0)


_dense1 = pl.pallas_call(
    _dense1_body,
    grid=(_NP // _RB,),
    in_specs=[
        pl.BlockSpec((2, _RB, _D), lambda i: (0, i, 0)),
        pl.BlockSpec((2, _RB, _D), lambda i: (0, i, 0)),
        pl.BlockSpec((_RB, _D), lambda i: (i, 0)),
        pl.BlockSpec((_D, _D), lambda i: (0, 0)),
        pl.BlockSpec((_D, _D), lambda i: (0, 0)),
        pl.BlockSpec((1, _D), lambda i: (0, 0)),
    ],
    out_specs=pl.BlockSpec((_RB, _D), lambda i: (i, 0)),
    out_shape=jax.ShapeDtypeStruct((_NP, _D), jnp.float32),
)


def _dense2_body(part, degpart, h1a, w2l, w2r, b2, wc1, bc1, wc2, bc2, out):
    p = part[...]
    agg = p[0] + p[1]
    d = degpart[...]
    deg = d[0, :, 0:1] + d[1, :, 0:1]
    mean = agg / jnp.maximum(deg, 1.0)
    h2 = _mm(mean, w2l[...]) + _mm(h1a[...], w2r[...]) + b2[...]
    h2 = jnp.maximum(h2, 0.0)
    z = _mm(h2, wc1[...]) + bc1[...]
    z = _mm(z, wc2[...]) + bc2[...]
    m = jnp.max(z, axis=1, keepdims=True)
    ez = jnp.exp(z - m)
    out[...] = z - m - jnp.log(jnp.sum(ez, axis=1, keepdims=True))


_dense2 = pl.pallas_call(
    _dense2_body,
    grid=(_NP // _RB,),
    in_specs=[
        pl.BlockSpec((2, _RB, _D), lambda i: (0, i, 0)),
        pl.BlockSpec((2, _RB, _D), lambda i: (0, i, 0)),
        pl.BlockSpec((_RB, _D), lambda i: (i, 0)),
        pl.BlockSpec((_D, _D), lambda i: (0, 0)),
        pl.BlockSpec((_D, _D), lambda i: (0, 0)),
        pl.BlockSpec((1, _D), lambda i: (0, 0)),
        pl.BlockSpec((_D, _D), lambda i: (0, 0)),
        pl.BlockSpec((1, _D), lambda i: (0, 0)),
        pl.BlockSpec((_D, _C), lambda i: (0, 0)),
        pl.BlockSpec((1, _C), lambda i: (0, 0)),
    ],
    out_specs=pl.BlockSpec((_RB, _C), lambda i: (i, 0)),
    out_shape=jax.ShapeDtypeStruct((_N, _C), jnp.float32),
)


def kernel(x, edge_index, W1l, b1l, W1r, W2l, b2l, W2r, Wc1, bc1, Wc2, bc2):
    f32 = jnp.float32
    src = edge_index[0]
    dst = edge_index[1]
    pad = _NW * _CH * _K - _E
    srcp = jnp.concatenate([src, jnp.zeros((pad,), jnp.int32)])
    dstp = jnp.concatenate([dst, jnp.full((pad,), _N + 100, jnp.int32)])
    q = 16 * _CH0 * _K
    src0 = srcp[:q].reshape(16, _CH0, _K)
    dst0 = dstp[:q].reshape(16, _CH0, _K)
    src1 = srcp[q:].reshape(16, _CH1, _K)
    dst1 = dstp[q:].reshape(16, _CH1, _K)
    xa = jnp.zeros((_NP, _D), f32).at[:_N].set(x)
    zrows = jnp.zeros((_NP, _D), f32)
    ones = jnp.ones((_K, _D), f32)

    dst_r = dstp.reshape(_NW, _CH, _K)
    degpart = _sc_deg(dst_r, zrows, ones)
    part1 = _sc_agg(xa, src0, dst0, src1, dst1, zrows)
    h1a = _dense1(part1, degpart, xa, W1l.T, W1r.T, b1l.reshape(1, -1))
    part2 = _sc_agg(h1a, src0, dst0, src1, dst1, zrows)
    out = _dense2(part2, degpart, h1a, W2l.T, W2r.T, b2l.reshape(1, -1),
                  Wc1.T, bc1.reshape(1, -1), Wc2.T, bc2.reshape(1, -1))
    return out

# --- scband reference (transcript-rebuilt; emitter-appended) ---
"""Pipeline reference for scband-gcn-70531952935092 (READ-ONLY COPY).

The authoritative reference and input builder live on the scoring server;
editing this copy changes nothing except your own understanding.
"""

import jax, jax.numpy as jnp
import numpy as np

N = 10000
E = 320000
D = 128
H = 128
C = 40


def setup_inputs(seed: int = 0) -> dict:
    key = jax.random.key(seed)
    ks = jax.random.split(key, 14)
    x = jax.random.normal(ks[0], (N, D), dtype=jnp.float32)
    edge_index = jax.random.randint(ks[1], (2, E), 0, N, dtype=jnp.int32)
    s = 0.05
    W1l = jax.random.normal(ks[2], (H, D), dtype=jnp.float32) * s
    b1l = jnp.zeros((H,), dtype=jnp.float32)
    W1r = jax.random.normal(ks[3], (H, D), dtype=jnp.float32) * s
    W2l = jax.random.normal(ks[4], (H, H), dtype=jnp.float32) * s
    b2l = jnp.zeros((H,), dtype=jnp.float32)
    W2r = jax.random.normal(ks[5], (H, H), dtype=jnp.float32) * s
    Wc1 = jax.random.normal(ks[6], (H, H), dtype=jnp.float32) * s
    bc1 = jnp.zeros((H,), dtype=jnp.float32)
    Wc2 = jax.random.normal(ks[7], (C, H), dtype=jnp.float32) * s
    bc2 = jnp.zeros((C,), dtype=jnp.float32)
    return {"x": x, "edge_index": edge_index, "W1l": W1l, "b1l": b1l, "W1r": W1r,
            "W2l": W2l, "b2l": b2l, "W2r": W2r, "Wc1": Wc1, "bc1": bc1, "Wc2": Wc2, "bc2": bc2}


def _sage_conv(x, src, dst, Wl, bl, Wr, n):
    # PyG SAGEConv with mean aggregation:
    # out = lin_l(mean_{j in N(i)} x_j) + lin_r(x_i)
    msgs = x[src]
    agg = jax.ops.segment_sum(msgs, dst, num_segments=n)
    deg = jax.ops.segment_sum(jnp.ones((src.shape[0],), dtype=x.dtype), dst, num_segments=n)
    mean = agg / jnp.clip(deg, 1.0)[:, None]
    return mean @ Wl.T + bl + x @ Wr.T


def reference(x, edge_index, W1l, b1l, W1r, W2l, b2l, W2r, Wc1, bc1, Wc2, bc2):
    src = edge_index[0]
    dst = edge_index[1]
    h = jax.nn.relu(_sage_conv(x, src, dst, W1l, b1l, W1r, N))
    # dropout p=0.0 / eval mode -> identity
    h = jax.nn.relu(_sage_conv(h, src, dst, W2l, b2l, W2r, N))
    h = h @ Wc1.T + bc1
    h = h @ Wc2.T + bc2
    return jax.nn.log_softmax(h, axis=1)

if __name__ == "__main__":
    import jax
    _d = setup_inputs()
    print(jax.jit(kernel)(*tuple(_d.values())))

</pallas_src>

<mosaic_0001>
#map = affine_map<(d0, d1) -> (0, 0)>
#map1 = affine_map<(d0, d1) -> (0, 0, 0)>
module attributes {stable_mosaic.version = 14 : i64} {
  func.func @_sc_agg_body(%arg0: i32, %arg1: i32, %arg2: memref<10240x128xf32, #tpu.memory_space<hbm>>, %arg3: memref<16x104x128xi32, #tpu.memory_space<hbm>>, %arg4: memref<16x104x128xi32, #tpu.memory_space<hbm>>, %arg5: memref<16x54x128xi32, #tpu.memory_space<hbm>>, %arg6: memref<16x54x128xi32, #tpu.memory_space<hbm>>, %arg7: memref<10240x128xf32, #tpu.memory_space<hbm>>, %arg8: memref<2x10240x128xf32, #tpu.memory_space<hbm>>, %arg9: memref<104x128xi32, #tpu.memory_space<vmem>>, %arg10: memref<104x128xi32, #tpu.memory_space<vmem>>, %arg11: memref<128x128xf32, #tpu.memory_space<vmem>>, %arg12: memref<10240x128xf32, #tpu.memory_space<vmem_shared>>) attributes {dimension_semantics = [#tpu.dimension_semantics<core_parallel>, #tpu.dimension_semantics<subcore_parallel>], iteration_bounds = array<i64: 2, 16>, scalar_prefetch = 0 : i64, scratch_operands = 4 : i64, tpu.core_type = #tpu.core_type<sc_vector_subcore>, window_params = [{transform_indices = #map}, {transform_indices = #map1}, {transform_indices = #map1}, {transform_indices = #map1}, {transform_indices = #map1}, {transform_indices = #map}, {transform_indices = #map1}]} {
    %mul3A = arith.constant 640 : i32
    %mul3A_0 = arith.muli %arg1, %mul3A : i32
    "tpu.region"() ({
      %run_scoped3A = tpu.sem_alloc : memref<!tpu.dma_semaphore, #tpu.memory_space<semaphore_mem>>
      %dma_start3A = arith.constant 0 : i32
      %dma_start3A_21 = tpu.memref_slice %arg12[%mul3A_0, %dma_start3A] : memref<10240x128xf32, #tpu.memory_space<vmem_shared>> -> memref<640x128xf32, #tpu.memory_space<vmem_shared>>
      %dma_start3A_22 = arith.constant 0 : i32
      %dma_start3A_23 = tpu.memref_slice %arg7[%mul3A_0, %dma_start3A_22] : memref<10240x128xf32, #tpu.memory_space<hbm>> -> memref<640x128xf32, #tpu.memory_space<hbm>>
      tpu.enqueue_dma source(%dma_start3A_23 : memref<640x128xf32, #tpu.memory_space<hbm>>) target(%dma_start3A_21 : memref<640x128xf32, #tpu.memory_space<vmem_shared>>) target_semaphore(%run_scoped3A : memref<!tpu.dma_semaphore, #tpu.memory_space<semaphore_mem>>)
      %dma_wait3A = arith.constant 0 : i32
      %dma_wait3A_24 = tpu.memref_slice %arg12[%mul3A_0, %dma_wait3A] : memref<10240x128xf32, #tpu.memory_space<vmem_shared>> -> memref<640x128xf32, #tpu.memory_space<vmem_shared>>
      %dma_wait3A_25 = arith.constant 0 : i32
      %dma_wait3A_26 = tpu.memref_slice %arg7[%mul3A_0, %dma_wait3A_25] : memref<10240x128xf32, #tpu.memory_space<hbm>> -> memref<640x128xf32, #tpu.memory_space<hbm>>
      tpu.wait_dma2 semaphore(%run_scoped3A : memref<!tpu.dma_semaphore, #tpu.memory_space<semaphore_mem>>) src(%dma_wait3A_26 : memref<640x128xf32, #tpu.memory_space<hbm>>) dst(%dma_wait3A_24 : memref<640x128xf32, #tpu.memory_space<vmem_shared>>)
      tpu.yield
    }) : () -> ()
    %eq3A = arith.constant 0 : i32
    %eq3A_1 = arith.cmpi eq, %arg0, %eq3A : i32
    %convert_element_type3A = arith.extui %eq3A_1 : i1 to i32
    %cond3A = arith.constant 0 : i32
    %cond3A_2 = arith.cmpi ne, %convert_element_type3A, %cond3A : i32
    scf.if %cond3A_2 {
      "tpu.region"() ({
        %run_scoped3A = tpu.sem_alloc : memref<!tpu.dma_semaphore, #tpu.memory_space<semaphore_mem>>
        %dma_start3A = arith.constant 0 : i32
        %dma_start3A_21 = arith.constant 0 : i32
        %dma_start3A_22 = tpu.memref_slice %arg9[%dma_start3A, %dma_start3A_21] : memref<104x128xi32, #tpu.memory_space<vmem>> -> memref<104x128xi32, #tpu.memory_space<vmem>>
        %dma_start3A_23 = arith.constant 0 : i32
        %dma_start3A_24 = arith.constant 0 : i32
        %dma_start3A_25 = tpu.memref_slice %arg3[%arg1, %dma_start3A_23, %dma_start3A_24] : memref<16x104x128xi32, #tpu.memory_space<hbm>> -> memref<1x104x128xi32, #tpu.memory_space<hbm>>
        %dma_start3A_26 = tpu.memref_squeeze %dma_start3A_25 : memref<1x104x128xi32, #tpu.memory_space<hbm>> -> memref<104x128xi32, #tpu.memory_space<hbm>>
        %dma_start3A_27 = arith.constant 0 : i32
        %dma_start3A_28 = arith.constant 0 : i32
        %dma_start3A_29 = tpu.memref_slice %arg9[%dma_start3A_27, %dma_start3A_28] : memref<104x128xi32, #tpu.memory_space<vmem>> -> memref<104x128xi32, #tpu.memory_space<vmem>>
        %dma_start3A_30 = arith.constant 0 : i32
        %dma_start3A_31 = arith.constant 0 : i32
        %dma_start3A_32 = tpu.memref_slice %arg3[%arg1, %dma_start3A_30, %dma_start3A_31] : memref<16x104x128xi32, #tpu.memory_space<hbm>> -> memref<1x104x128xi32, #tpu.memory_space<hbm>>
        %dma_start3A_33 = tpu.memref_squeeze %dma_start3A_32 : memref<1x104x128xi32, #tpu.memory_space<hbm>> -> memref<104x128xi32, #tpu.memory_space<hbm>>
        tpu.enqueue_dma source(%dma_start3A_33 : memref<104x128xi32, #tpu.memory_space<hbm>>) target(%dma_start3A_29 : memref<104x128xi32, #tpu.memory_space<vmem>>) target_semaphore(%run_scoped3A : memref<!tpu.dma_semaphore, #tpu.memory_space<semaphore_mem>>)
        %dma_wait3A = arith.constant 0 : i32
        %dma_wait3A_34 = arith.constant 0 : i32
        %dma_wait3A_35 = tpu.memref_slice %arg9[%dma_wait3A, %dma_wait3A_34] : memref<104x128xi32, #tpu.memory_space<vmem>> -> memref<104x128xi32, #tpu.memory_space<vmem>>
        %dma_wait3A_36 = arith.constant 0 : i32
        %dma_wait3A_37 = arith.constant 0 : i32
        %dma_wait3A_38 = tpu.memref_slice %arg3[%arg1, %dma_wait3A_36, %dma_wait3A_37] : memref<16x104x128xi32, #tpu.memory_space<hbm>> -> memref<1x104x128xi32, #tpu.memory_space<hbm>>
        %dma_wait3A_39 = tpu.memref_squeeze %dma_wait3A_38 : memref<1x104x128xi32, #tpu.memory_space<hbm>> -> memref<104x128xi32, #tpu.memory_space<hbm>>
        %dma_wait3A_40 = arith.constant 0 : i32
        %dma_wait3A_41 = arith.constant 0 : i32
        %dma_wait3A_42 = tpu.memref_slice %arg9[%dma_wait3A_40, %dma_wait3A_41] : memref<104x128xi32, #tpu.memory_space<vmem>> -> memref<104x128xi32, #tpu.memory_space<vmem>>
        %dma_wait3A_43 = arith.constant 0 : i32
        %dma_wait3A_44 = arith.constant 0 : i32
        %dma_wait3A_45 = tpu.memref_slice %arg3[%arg1, %dma_wait3A_43, %dma_wait3A_44] : memref<16x104x128xi32, #tpu.memory_space<hbm>> -> memref<1x104x128xi32, #tpu.memory_space<hbm>>
        %dma_wait3A_46 = tpu.memref_squeeze %dma_wait3A_45 : memref<1x104x128xi32, #tpu.memory_space<hbm>> -> memref<104x128xi32, #tpu.memory_space<hbm>>
        tpu.wait_dma2 semaphore(%run_scoped3A : memref<!tpu.dma_semaphore, #tpu.memory_space<semaphore_mem>>) src(%dma_wait3A_46 : memref<104x128xi32, #tpu.memory_space<hbm>>) dst(%dma_wait3A_42 : memref<104x128xi32, #tpu.memory_space<vmem>>)
        tpu.yield
      }) : () -> ()
      "tpu.region"() ({
        %run_scoped3A = tpu.sem_alloc : memref<!tpu.dma_semaphore, #tpu.memory_space<semaphore_mem>>
        %dma_start3A = arith.constant 0 : i32
        %dma_start3A_21 = arith.constant 0 : i32
        %dma_start3A_22 = tpu.memref_slice %arg10[%dma_start3A, %dma_start3A_21] : memref<104x128xi32, #tpu.memory_space<vmem>> -> memref<104x128xi32, #tpu.memory_space<vmem>>
        %dma_start3A_23 = arith.constant 0 : i32
        %dma_start3A_24 = arith.constant 0 : i32
        %dma_start3A_25 = tpu.memref_slice %arg4[%arg1, %dma_start3A_23, %dma_start3A_24] : memref<16x104x128xi32, #tpu.memory_space<hbm>> -> memref<1x104x128xi32, #tpu.memory_space<hbm>>
        %dma_start3A_26 = tpu.memref_squeeze %dma_start3A_25 : memref<1x104x128xi32, #tpu.memory_space<hbm>> -> memref<104x128xi32, #tpu.memory_space<hbm>>
        %dma_start3A_27 = arith.constant 0 : i32
        %dma_start3A_28 = arith.constant 0 : i32
        %dma_start3A_29 = tpu.memref_slice %arg10[%dma_start3A_27, %dma_start3A_28] : memref<104x128xi32, #tpu.memory_space<vmem>> -> memref<104x128xi32, #tpu.memory_space<vmem>>
        %dma_start3A_30 = arith.constant 0 : i32
        %dma_start3A_31 = arith.constant 0 : i32
        %dma_start3A_32 = tpu.memref_slice %arg4[%arg1, %dma_start3A_30, %dma_start3A_31] : memref<16x104x128xi32, #tpu.memory_space<hbm>> -> memref<1x104x128xi32, #tpu.memory_space<hbm>>
        %dma_start3A_33 = tpu.memref_squeeze %dma_start3A_32 : memref<1x104x128xi32, #tpu.memory_space<hbm>> -> memref<104x128xi32, #tpu.memory_space<hbm>>
        tpu.enqueue_dma source(%dma_start3A_33 : memref<104x128xi32, #tpu.memory_space<hbm>>) target(%dma_start3A_29 : memref<104x128xi32, #tpu.memory_space<vmem>>) target_semaphore(%run_scoped3A : memref<!tpu.dma_semaphore, #tpu.memory_space<semaphore_mem>>)
        %dma_wait3A = arith.constant 0 : i32
        %dma_wait3A_34 = arith.constant 0 : i32
        %dma_wait3A_35 = tpu.memref_slice %arg10[%dma_wait3A, %dma_wait3A_34] : memref<104x128xi32, #tpu.memory_space<vmem>> -> memref<104x128xi32, #tpu.memory_space<vmem>>
        %dma_wait3A_36 = arith.constant 0 : i32
        %dma_wait3A_37 = arith.constant 0 : i32
        %dma_wait3A_38 = tpu.memref_slice %arg4[%arg1, %dma_wait3A_36, %dma_wait3A_37] : memref<16x104x128xi32, #tpu.memory_space<hbm>> -> memref<1x104x128xi32, #tpu.memory_space<hbm>>
        %dma_wait3A_39 = tpu.memref_squeeze %dma_wait3A_38 : memref<1x104x128xi32, #tpu.memory_space<hbm>> -> memref<104x128xi32, #tpu.memory_space<hbm>>
        %dma_wait3A_40 = arith.constant 0 : i32
        %dma_wait3A_41 = arith.constant 0 : i32
        %dma_wait3A_42 = tpu.memref_slice %arg10[%dma_wait3A_40, %dma_wait3A_41] : memref<104x128xi32, #tpu.memory_space<vmem>> -> memref<104x128xi32, #tpu.memory_space<vmem>>
        %dma_wait3A_43 = arith.constant 0 : i32
        %dma_wait3A_44 = arith.constant 0 : i32
        %dma_wait3A_45 = tpu.memref_slice %arg4[%arg1, %dma_wait3A_43, %dma_wait3A_44] : memref<16x104x128xi32, #tpu.memory_space<hbm>> -> memref<1x104x128xi32, #tpu.memory_space<hbm>>
        %dma_wait3A_46 = tpu.memref_squeeze %dma_wait3A_45 : memref<1x104x128xi32, #tpu.memory_space<hbm>> -> memref<104x128xi32, #tpu.memory_space<hbm>>
        tpu.wait_dma2 semaphore(%run_scoped3A : memref<!tpu.dma_semaphore, #tpu.memory_space<semaphore_mem>>) src(%dma_wait3A_46 : memref<104x128xi32, #tpu.memory_space<hbm>>) dst(%dma_wait3A_42 : memref<104x128xi32, #tpu.memory_space<vmem>>)
        tpu.yield
      }) : () -> ()
    } else {
    }
    %eq3A_3 = arith.constant 1 : i32
    %eq3A_4 = arith.cmpi eq, %arg0, %eq3A_3 : i32
    %convert_element_type3A_5 = arith.extui %eq3A_4 : i1 to i32
    %cond3A_6 = arith.constant 0 : i32
    %cond3A_7 = arith.cmpi ne, %convert_element_type3A_5, %cond3A_6 : i32
    scf.if %cond3A_7 {
      "tpu.region"() ({
        %run_scoped3A = tpu.sem_alloc : memref<!tpu.dma_semaphore, #tpu.memory_space<semaphore_mem>>
        %dma_start3A = arith.constant 0 : i32
        %dma_start3A_21 = arith.constant 0 : i32
        %dma_start3A_22 = tpu.memref_slice %arg9[%dma_start3A, %dma_start3A_21] : memref<104x128xi32, #tpu.memory_space<vmem>> -> memref<54x128xi32, #tpu.memory_space<vmem>>
        %dma_start3A_23 = arith.constant 0 : i32
        %dma_start3A_24 = arith.constant 0 : i32
        %dma_start3A_25 = tpu.memref_slice %arg5[%arg1, %dma_start3A_23, %dma_start3A_24] : memref<16x54x128xi32, #tpu.memory_space<hbm>> -> memref<1x54x128xi32, #tpu.memory_space<hbm>>
        %dma_start3A_26 = tpu.memref_squeeze %dma_start3A_25 : memref<1x54x128xi32, #tpu.memory_space<hbm>> -> memref<54x128xi32, #tpu.memory_space<hbm>>
        %dma_start3A_27 = arith.constant 0 : i32
        %dma_start3A_28 = arith.constant 0 : i32
        %dma_start3A_29 = tpu.memref_slice %arg9[%dma_start3A_27, %dma_start3A_28] : memref<104x128xi32, #tpu.memory_space<vmem>> -> memref<54x128xi32, #tpu.memory_space<vmem>>
        %dma_start3A_30 = arith.constant 0 : i32
        %dma_start3A_31 = arith.constant 0 : i32
        %dma_start3A_32 = tpu.memref_slice %arg5[%arg1, %dma_start3A_30, %dma_start3A_31] : memref<16x54x128xi32, #tpu.memory_space<hbm>> -> memref<1x54x128xi32, #tpu.memory_space<hbm>>
        %dma_start3A_33 = tpu.memref_squeeze %dma_start3A_32 : memref<1x54x128xi32, #tpu.memory_space<hbm>> -> memref<54x128xi32, #tpu.memory_space<hbm>>
        tpu.enqueue_dma source(%dma_start3A_33 : memref<54x128xi32, #tpu.memory_space<hbm>>) target(%dma_start3A_29 : memref<54x128xi32, #tpu.memory_space<vmem>>) target_semaphore(%run_scoped3A : memref<!tpu.dma_semaphore, #tpu.memory_space<semaphore_mem>>)
        %dma_wait3A = arith.constant 0 : i32
        %dma_wait3A_34 = arith.constant 0 : i32
        %dma_wait3A_35 = tpu.memref_slice %arg9[%dma_wait3A, %dma_wait3A_34] : memref<104x128xi32, #tpu.memory_space<vmem>> -> memref<54x128xi32, #tpu.memory_space<vmem>>
        %dma_wait3A_36 = arith.constant 0 : i32
        %dma_wait3A_37 = arith.constant 0 : i32
        %dma_wait3A_38 = tpu.memref_slice %arg5[%arg1, %dma_wait3A_36, %dma_wait3A_37] : memref<16x54x128xi32, #tpu.memory_space<hbm>> -> memref<1x54x128xi32, #tpu.memory_space<hbm>>
        %dma_wait3A_39 = tpu.memref_squeeze %dma_wait3A_38 : memref<1x54x128xi32, #tpu.memory_space<hbm>> -> memref<54x128xi32, #tpu.memory_space<hbm>>
        %dma_wait3A_40 = arith.constant 0 : i32
        %dma_wait3A_41 = arith.constant 0 : i32
        %dma_wait3A_42 = tpu.memref_slice %arg9[%dma_wait3A_40, %dma_wait3A_41] : memref<104x128xi32, #tpu.memory_space<vmem>> -> memref<54x128xi32, #tpu.memory_space<vmem>>
        %dma_wait3A_43 = arith.constant 0 : i32
        %dma_wait3A_44 = arith.constant 0 : i32
        %dma_wait3A_45 = tpu.memref_slice %arg5[%arg1, %dma_wait3A_43, %dma_wait3A_44] : memref<16x54x128xi32, #tpu.memory_space<hbm>> -> memref<1x54x128xi32, #tpu.memory_space<hbm>>
        %dma_wait3A_46 = tpu.memref_squeeze %dma_wait3A_45 : memref<1x54x128xi32, #tpu.memory_space<hbm>> -> memref<54x128xi32, #tpu.memory_space<hbm>>
        tpu.wait_dma2 semaphore(%run_scoped3A : memref<!tpu.dma_semaphore, #tpu.memory_space<semaphore_mem>>) src(%dma_wait3A_46 : memref<54x128xi32, #tpu.memory_space<hbm>>) dst(%dma_wait3A_42 : memref<54x128xi32, #tpu.memory_space<vmem>>)
        tpu.yield
      }) : () -> ()
      "tpu.region"() ({
        %run_scoped3A = tpu.sem_alloc : memref<!tpu.dma_semaphore, #tpu.memory_space<semaphore_mem>>
        %dma_start3A = arith.constant 0 : i32
        %dma_start3A_21 = arith.constant 0 : i32
        %dma_start3A_22 = tpu.memref_slice %arg10[%dma_start3A, %dma_start3A_21] : memref<104x128xi32, #tpu.memory_space<vmem>> -> memref<54x128xi32, #tpu.memory_space<vmem>>
        %dma_start3A_23 = arith.constant 0 : i32
        %dma_start3A_24 = arith.constant 0 : i32
        %dma_start3A_25 = tpu.memref_slice %arg6[%arg1, %dma_start3A_23, %dma_start3A_24] : memref<16x54x128xi32, #tpu.memory_space<hbm>> -> memref<1x54x128xi32, #tpu.memory_space<hbm>>
        %dma_start3A_26 = tpu.memref_squeeze %dma_start3A_25 : memref<1x54x128xi32, #tpu.memory_space<hbm>> -> memref<54x128xi32, #tpu.memory_space<hbm>>
        %dma_start3A_27 = arith.constant 0 : i32
        %dma_start3A_28 = arith.constant 0 : i32
        %dma_start3A_29 = tpu.memref_slice %arg10[%dma_start3A_27, %dma_start3A_28] : memref<104x128xi32, #tpu.memory_space<vmem>> -> memref<54x128xi32, #tpu.memory_space<vmem>>
        %dma_start3A_30 = arith.constant 0 : i32
        %dma_start3A_31 = arith.constant 0 : i32
        %dma_start3A_32 = tpu.memref_slice %arg6[%arg1, %dma_start3A_30, %dma_start3A_31] : memref<16x54x128xi32, #tpu.memory_space<hbm>> -> memref<1x54x128xi32, #tpu.memory_space<hbm>>
        %dma_start3A_33 = tpu.memref_squeeze %dma_start3A_32 : memref<1x54x128xi32, #tpu.memory_space<hbm>> -> memref<54x128xi32, #tpu.memory_space<hbm>>
        tpu.enqueue_dma source(%dma_start3A_33 : memref<54x128xi32, #tpu.memory_space<hbm>>) target(%dma_start3A_29 : memref<54x128xi32, #tpu.memory_space<vmem>>) target_semaphore(%run_scoped3A : memref<!tpu.dma_semaphore, #tpu.memory_space<semaphore_mem>>)
        %dma_wait3A = arith.constant 0 : i32
        %dma_wait3A_34 = arith.constant 0 : i32
        %dma_wait3A_35 = tpu.memref_slice %arg10[%dma_wait3A, %dma_wait3A_34] : memref<104x128xi32, #tpu.memory_space<vmem>> -> memref<54x128xi32, #tpu.memory_space<vmem>>
        %dma_wait3A_36 = arith.constant 0 : i32
        %dma_wait3A_37 = arith.constant 0 : i32
        %dma_wait3A_38 = tpu.memref_slice %arg6[%arg1, %dma_wait3A_36, %dma_wait3A_37] : memref<16x54x128xi32, #tpu.memory_space<hbm>> -> memref<1x54x128xi32, #tpu.memory_space<hbm>>
        %dma_wait3A_39 = tpu.memref_squeeze %dma_wait3A_38 : memref<1x54x128xi32, #tpu.memory_space<hbm>> -> memref<54x128xi32, #tpu.memory_space<hbm>>
        %dma_wait3A_40 = arith.constant 0 : i32
        %dma_wait3A_41 = arith.constant 0 : i32
        %dma_wait3A_42 = tpu.memref_slice %arg10[%dma_wait3A_40, %dma_wait3A_41] : memref<104x128xi32, #tpu.memory_space<vmem>> -> memref<54x128xi32, #tpu.memory_space<vmem>>
        %dma_wait3A_43 = arith.constant 0 : i32
        %dma_wait3A_44 = arith.constant 0 : i32
        %dma_wait3A_45 = tpu.memref_slice %arg6[%arg1, %dma_wait3A_43, %dma_wait3A_44] : memref<16x54x128xi32, #tpu.memory_space<hbm>> -> memref<1x54x128xi32, #tpu.memory_space<hbm>>
        %dma_wait3A_46 = tpu.memref_squeeze %dma_wait3A_45 : memref<1x54x128xi32, #tpu.memory_space<hbm>> -> memref<54x128xi32, #tpu.memory_space<hbm>>
        tpu.wait_dma2 semaphore(%run_scoped3A : memref<!tpu.dma_semaphore, #tpu.memory_space<semaphore_mem>>) src(%dma_wait3A_46 : memref<54x128xi32, #tpu.memory_space<hbm>>) dst(%dma_wait3A_42 : memref<54x128xi32, #tpu.memory_space<vmem>>)
        tpu.yield
      }) : () -> ()
    } else {
    }
    %barrier3A = arith.constant 0 : index
    tpu.barrier barrier_id(%barrier3A)
    %eq3A_8 = arith.constant 0 : i32
    %eq3A_9 = arith.cmpi eq, %arg0, %eq3A_8 : i32
    %jit3A = arith.constant 104 : i32
    %jit3A_10 = arith.constant 54 : i32
    %select_n3A = arith.select %eq3A_9, %jit3A, %jit3A_10 : i32
    %while3A = arith.constant 0 : i32
    %while3A_11 = arith.constant 0 : i32
    %while3A_12 = arith.subi %select_n3A, %while3A_11 : i32
    %while3A_13 = arith.addi %while3A_11, %while3A_12 : i32
    %while3A_14 = arith.constant 1 : i32
    %while3A_15 = arith.divsi %while3A_12, %while3A_14 : i32
    %while3A_16 = arith.muli %while3A_15, %while3A_14 : i32
    %while3A_17 = arith.addi %while3A_11, %while3A_16 : i32
    %while3A_18 = arith.constant 1 : i32
    scf.for %while3A_21 = %while3A_11 to %while3A_17 step %while3A_18  : i32 {
      "tpu.region"() ({
        %run_scoped3A = tpu.sem_alloc : memref<!tpu.dma_semaphore, #tpu.memory_space<semaphore_mem>>
        %dma_start3A = arith.constant 0 : i32
        %dma_start3A_22 = tpu.memref_slice %arg9[%while3A_21, %dma_start3A] : memref<104x128xi32, #tpu.memory_space<vmem>> -> memref<1x128xi32, #tpu.memory_space<vmem>>
        %dma_start3A_23 = tpu.memref_squeeze %dma_start3A_22 : memref<1x128xi32, #tpu.memory_space<vmem>> -> memref<128xi32, #tpu.memory_space<vmem>>
        %dma_start3A_24 = arith.constant 0 : i32
        %dma_start3A_25 = arith.constant 0 : i32
        %dma_start3A_26 = tpu.memref_slice %arg2[%dma_start3A_24, %dma_start3A_25] : memref<10240x128xf32, #tpu.memory_space<hbm>> -> memref<10240x128xf32, #tpu.memory_space<hbm>>
        tpu.enqueue_indirect_dma source(%dma_start3A_26 : memref<10240x128xf32, #tpu.memory_space<hbm>>) target(%arg11 : memref<128x128xf32, #tpu.memory_space<vmem>>) offsets(%dma_start3A_23 : memref<128xi32, #tpu.memory_space<vmem>>) semaphore(%run_scoped3A : memref<!tpu.dma_semaphore, #tpu.memory_space<semaphore_mem>>)
        %dma_wait3A = arith.constant 0 : i32
        %dma_wait3A_27 = tpu.memref_slice %arg9[%while3A_21, %dma_wait3A] : memref<104x128xi32, #tpu.memory_space<vmem>> -> memref<1x128xi32, #tpu.memory_space<vmem>>
        %dma_wait3A_28 = tpu.memref_squeeze %dma_wait3A_27 : memref<1x128xi32, #tpu.memory_space<vmem>> -> memref<128xi32, #tpu.memory_space<vmem>>
        %dma_wait3A_29 = arith.constant 0 : i32
        %dma_wait3A_30 = arith.constant 0 : i32
        %dma_wait3A_31 = tpu.memref_slice %arg2[%dma_wait3A_29, %dma_wait3A_30] : memref<10240x128xf32, #tpu.memory_space<hbm>> -> memref<10240x128xf32, #tpu.memory_space<hbm>>
        tpu.wait_indirect_dma semaphore(%run_scoped3A : memref<!tpu.dma_semaphore, #tpu.memory_space<semaphore_mem>>) src(%dma_wait3A_31 : memref<10240x128xf32, #tpu.memory_space<hbm>>) dst(%arg11 : memref<128x128xf32, #tpu.memory_space<vmem>>)
        tpu.yield
      }) : () -> ()
      "tpu.region"() ({
        %run_scoped3A = tpu.sem_alloc : memref<!tpu.dma_semaphore, #tpu.memory_space<semaphore_mem>>
        %dma_start3A = arith.constant 0 : i32
        %dma_start3A_22 = tpu.memref_slice %arg10[%while3A_21, %dma_start3A] : memref<104x128xi32, #tpu.memory_space<vmem>> -> memref<1x128xi32, #tpu.memory_space<vmem>>
        %dma_start3A_23 = tpu.memref_squeeze %dma_start3A_22 : memref<1x128xi32, #tpu.memory_space<vmem>> -> memref<128xi32, #tpu.memory_space<vmem>>
        %dma_start3A_24 = arith.constant 0 : i32
        %dma_start3A_25 = arith.constant 0 : i32
        %dma_start3A_26 = tpu.memref_slice %arg12[%dma_start3A_24, %dma_start3A_25] : memref<10240x128xf32, #tpu.memory_space<vmem_shared>> -> memref<10240x128xf32, #tpu.memory_space<vmem_shared>>
        tpu.enqueue_indirect_dma source(%arg11 : memref<128x128xf32, #tpu.memory_space<vmem>>) target(%dma_start3A_26 : memref<10240x128xf32, #tpu.memory_space<vmem_shared>>) offsets(%dma_start3A_23 : memref<128xi32, #tpu.memory_space<vmem>>) semaphore(%run_scoped3A : memref<!tpu.dma_semaphore, #tpu.memory_space<semaphore_mem>>) {add = true}
        %dma_wait3A = arith.constant 0 : i32
        %dma_wait3A_27 = tpu.memref_slice %arg10[%while3A_21, %dma_wait3A] : memref<104x128xi32, #tpu.memory_space<vmem>> -> memref<1x128xi32, #tpu.memory_space<vmem>>
        %dma_wait3A_28 = tpu.memref_squeeze %dma_wait3A_27 : memref<1x128xi32, #tpu.memory_space<vmem>> -> memref<128xi32, #tpu.memory_space<vmem>>
        %dma_wait3A_29 = arith.constant 0 : i32
        %dma_wait3A_30 = arith.constant 0 : i32
        %dma_wait3A_31 = tpu.memref_slice %arg12[%dma_wait3A_29, %dma_wait3A_30] : memref<10240x128xf32, #tpu.memory_space<vmem_shared>> -> memref<10240x128xf32, #tpu.memory_space<vmem_shared>>
        tpu.wait_indirect_dma semaphore(%run_scoped3A : memref<!tpu.dma_semaphore, #tpu.memory_space<semaphore_mem>>) src(%arg11 : memref<128x128xf32, #tpu.memory_space<vmem>>) dst(%dma_wait3A_31 : memref<10240x128xf32, #tpu.memory_space<vmem_shared>>)
        tpu.yield
      }) : () -> ()
    }
    %while3A_19 = arith.constant 1 : i32
    scf.for %while3A_21 = %while3A_17 to %while3A_13 step %while3A_19  : i32 {
      "tpu.region"() ({
        %run_scoped3A = tpu.sem_alloc : memref<!tpu.dma_semaphore, #tpu.memory_space<semaphore_mem>>
        %dma_start3A = arith.constant 0 : i32
        %dma_start3A_22 = tpu.memref_slice %arg9[%while3A_21, %dma_start3A] : memref<104x128xi32, #tpu.memory_space<vmem>> -> memref<1x128xi32, #tpu.memory_space<vmem>>
        %dma_start3A_23 = tpu.memref_squeeze %dma_start3A_22 : memref<1x128xi32, #tpu.memory_space<vmem>> -> memref<128xi32, #tpu.memory_space<vmem>>
        %dma_start3A_24 = arith.constant 0 : i32
        %dma_start3A_25 = arith.constant 0 : i32
        %dma_start3A_26 = tpu.memref_slice %arg2[%dma_start3A_24, %dma_start3A_25] : memref<10240x128xf32, #tpu.memory_space<hbm>> -> memref<10240x128xf32, #tpu.memory_space<hbm>>
        tpu.enqueue_indirect_dma source(%dma_start3A_26 : memref<10240x128xf32, #tpu.memory_space<hbm>>) target(%arg11 : memref<128x128xf32, #tpu.memory_space<vmem>>) offsets(%dma_start3A_23 : memref<128xi32, #tpu.memory_space<vmem>>) semaphore(%run_scoped3A : memref<!tpu.dma_semaphore, #tpu.memory_space<semaphore_mem>>)
        %dma_wait3A = arith.constant 0 : i32
        %dma_wait3A_27 = tpu.memref_slice %arg9[%while3A_21, %dma_wait3A] : memref<104x128xi32, #tpu.memory_space<vmem>> -> memref<1x128xi32, #tpu.memory_space<vmem>>
        %dma_wait3A_28 = tpu.memref_squeeze %dma_wait3A_27 : memref<1x128xi32, #tpu.memory_space<vmem>> -> memref<128xi32, #tpu.memory_space<vmem>>
        %dma_wait3A_29 = arith.constant 0 : i32
        %dma_wait3A_30 = arith.constant 0 : i32
        %dma_wait3A_31 = tpu.memref_slice %arg2[%dma_wait3A_29, %dma_wait3A_30] : memref<10240x128xf32, #tpu.memory_space<hbm>> -> memref<10240x128xf32, #tpu.memory_space<hbm>>
        tpu.wait_indirect_dma semaphore(%run_scoped3A : memref<!tpu.dma_semaphore, #tpu.memory_space<semaphore_mem>>) src(%dma_wait3A_31 : memref<10240x128xf32, #tpu.memory_space<hbm>>) dst(%arg11 : memref<128x128xf32, #tpu.memory_space<vmem>>)
        tpu.yield
      }) : () -> ()
      "tpu.region"() ({
        %run_scoped3A = tpu.sem_alloc : memref<!tpu.dma_semaphore, #tpu.memory_space<semaphore_mem>>
        %dma_start3A = arith.constant 0 : i32
        %dma_start3A_22 = tpu.memref_slice %arg10[%while3A_21, %dma_start3A] : memref<104x128xi32, #tpu.memory_space<vmem>> -> memref<1x128xi32, #tpu.memory_space<vmem>>
        %dma_start3A_23 = tpu.memref_squeeze %dma_start3A_22 : memref<1x128xi32, #tpu.memory_space<vmem>> -> memref<128xi32, #tpu.memory_space<vmem>>
        %dma_start3A_24 = arith.constant 0 : i32
        %dma_start3A_25 = arith.constant 0 : i32
        %dma_start3A_26 = tpu.memref_slice %arg12[%dma_start3A_24, %dma_start3A_25] : memref<10240x128xf32, #tpu.memory_space<vmem_shared>> -> memref<10240x128xf32, #tpu.memory_space<vmem_shared>>
        tpu.enqueue_indirect_dma source(%arg11 : memref<128x128xf32, #tpu.memory_space<vmem>>) target(%dma_start3A_26 : memref<10240x128xf32, #tpu.memory_space<vmem_shared>>) offsets(%dma_start3A_23 : memref<128xi32, #tpu.memory_space<vmem>>) semaphore(%run_scoped3A : memref<!tpu.dma_semaphore, #tpu.memory_space<semaphore_mem>>) {add = true}
        %dma_wait3A = arith.constant 0 : i32
        %dma_wait3A_27 = tpu.memref_slice %arg10[%while3A_21, %dma_wait3A] : memref<104x128xi32, #tpu.memory_space<vmem>> -> memref<1x128xi32, #tpu.memory_space<vmem>>
        %dma_wait3A_28 = tpu.memref_squeeze %dma_wait3A_27 : memref<1x128xi32, #tpu.memory_space<vmem>> -> memref<128xi32, #tpu.memory_space<vmem>>
        %dma_wait3A_29 = arith.constant 0 : i32
        %dma_wait3A_30 = arith.constant 0 : i32
        %dma_wait3A_31 = tpu.memref_slice %arg12[%dma_wait3A_29, %dma_wait3A_30] : memref<10240x128xf32, #tpu.memory_space<vmem_shared>> -> memref<10240x128xf32, #tpu.memory_space<vmem_shared>>
        tpu.wait_indirect_dma semaphore(%run_scoped3A : memref<!tpu.dma_semaphore, #tpu.memory_space<semaphore_mem>>) src(%arg11 : memref<128x128xf32, #tpu.memory_space<vmem>>) dst(%dma_wait3A_31 : memref<10240x128xf32, #tpu.memory_space<vmem_shared>>)
        tpu.yield
      }) : () -> ()
    }
    %barrier3A_20 = arith.constant 0 : index
    tpu.barrier barrier_id(%barrier3A_20)
    "tpu.region"() ({
      %run_scoped3A = tpu.sem_alloc : memref<!tpu.dma_semaphore, #tpu.memory_space<semaphore_mem>>
      %dma_start3A = arith.constant 0 : i32
      %dma_start3A_21 = tpu.memref_slice %arg8[%arg0, %mul3A_0, %dma_start3A] : memref<2x10240x128xf32, #tpu.memory_space<hbm>> -> memref<1x640x128xf32, #tpu.memory_space<hbm>>
      %dma_start3A_22 = tpu.memref_squeeze %dma_start3A_21 : memref<1x640x128xf32, #tpu.memory_space<hbm>> -> memref<640x128xf32, #tpu.memory_space<hbm>>
      %dma_start3A_23 = arith.constant 0 : i32
      %dma_start3A_24 = tpu.memref_slice %arg12[%mul3A_0, %dma_start3A_23] : memref<10240x128xf32, #tpu.memory_space<vmem_shared>> -> memref<640x128xf32, #tpu.memory_space<vmem_shared>>
      tpu.enqueue_dma source(%dma_start3A_24 : memref<640x128xf32, #tpu.memory_space<vmem_shared>>) target(%dma_start3A_22 : memref<640x128xf32, #tpu.memory_space<hbm>>) target_semaphore(%run_scoped3A : memref<!tpu.dma_semaphore, #tpu.memory_space<semaphore_mem>>)
      %dma_wait3A = arith.constant 0 : i32
      %dma_wait3A_25 = tpu.memref_slice %arg8[%arg0, %mul3A_0, %dma_wait3A] : memref<2x10240x128xf32, #tpu.memory_space<hbm>> -> memref<1x640x128xf32, #tpu.memory_space<hbm>>
      %dma_wait3A_26 = tpu.memref_squeeze %dma_wait3A_25 : memref<1x640x128xf32, #tpu.memory_space<hbm>> -> memref<640x128xf32, #tpu.memory_space<hbm>>
      %dma_wait3A_27 = arith.constant 0 : i32
      %dma_wait3A_28 = tpu.memref_slice %arg12[%mul3A_0, %dma_wait3A_27] : memref<10240x128xf32, #tpu.memory_space<vmem_shared>> -> memref<640x128xf32, #tpu.memory_space<vmem_shared>>
      tpu.wait_dma2 semaphore(%run_scoped3A : memref<!tpu.dma_semaphore, #tpu.memory_space<semaphore_mem>>) src(%dma_wait3A_28 : memref<640x128xf32, #tpu.memory_space<vmem_shared>>) dst(%dma_wait3A_26 : memref<640x128xf32, #tpu.memory_space<hbm>>)
      tpu.yield
    }) : () -> ()
    return
  }
}

#map = affine_map<(d0, d1) -> (0, 0, 0)>
#map1 = affine_map<(d0, d1) -> (0, 0)>
module attributes {stable_mosaic.version = 14 : i64} {
  func.func @_sc_deg_body(%arg0: i32, %arg1: i32, %arg2: memref<32x79x128xi32, #tpu.memory_space<hbm>>, %arg3: memref<10240x128xf32, #tpu.memory_space<hbm>>, %arg4: memref<128x128xf32, #tpu.memory_space<hbm>>, %arg5: memref<2x10240x128xf32, #tpu.memory_space<hbm>>, %arg6: memref<104x128xi32, #tpu.memory_space<vmem>>, %arg7: memref<128x128xf32, #tpu.memory_space<vmem>>, %arg8: memref<10240x128xf32, #tpu.memory_space<vmem_shared>>) attributes {dimension_semantics = [#tpu.dimension_semantics<core_parallel>, #tpu.dimension_semantics<subcore_parallel>], iteration_bounds = array<i64: 2, 16>, scalar_prefetch = 0 : i64, scratch_operands = 3 : i64, tpu.core_type = #tpu.core_type<sc_vector_subcore>, window_params = [{transform_indices = #map}, {transform_indices = #map1}, {transform_indices = #map1}, {transform_indices = #map}]} {
    %mul3A = arith.constant 16 : i32
    %mul3A_0 = arith.muli %arg0, %mul3A : i32
    %add3A = arith.addi %mul3A_0, %arg1 : i32
    %mul3A_1 = arith.constant 640 : i32
    %mul3A_2 = arith.muli %arg1, %mul3A_1 : i32
    "tpu.region"() ({
      %run_scoped3A = tpu.sem_alloc : memref<!tpu.dma_semaphore, #tpu.memory_space<semaphore_mem>>
      %dma_start3A = arith.constant 0 : i32
      %dma_start3A_9 = tpu.memref_slice %arg8[%mul3A_2, %dma_start3A] : memref<10240x128xf32, #tpu.memory_space<vmem_shared>> -> memref<640x128xf32, #tpu.memory_space<vmem_shared>>
      %dma_start3A_10 = arith.constant 0 : i32
      %dma_start3A_11 = tpu.memref_slice %arg3[%mul3A_2, %dma_start3A_10] : memref<10240x128xf32, #tpu.memory_space<hbm>> -> memref<640x128xf32, #tpu.memory_space<hbm>>
      tpu.enqueue_dma source(%dma_start3A_11 : memref<640x128xf32, #tpu.memory_space<hbm>>) target(%dma_start3A_9 : memref<640x128xf32, #tpu.memory_space<vmem_shared>>) target_semaphore(%run_scoped3A : memref<!tpu.dma_semaphore, #tpu.memory_space<semaphore_mem>>)
      %dma_wait3A = arith.constant 0 : i32
      %dma_wait3A_12 = tpu.memref_slice %arg8[%mul3A_2, %dma_wait3A] : memref<10240x128xf32, #tpu.memory_space<vmem_shared>> -> memref<640x128xf32, #tpu.memory_space<vmem_shared>>
      %dma_wait3A_13 = arith.constant 0 : i32
      %dma_wait3A_14 = tpu.memref_slice %arg3[%mul3A_2, %dma_wait3A_13] : memref<10240x128xf32, #tpu.memory_space<hbm>> -> memref<640x128xf32, #tpu.memory_space<hbm>>
      tpu.wait_dma2 semaphore(%run_scoped3A : memref<!tpu.dma_semaphore, #tpu.memory_space<semaphore_mem>>) src(%dma_wait3A_14 : memref<640x128xf32, #tpu.memory_space<hbm>>) dst(%dma_wait3A_12 : memref<640x128xf32, #tpu.memory_space<vmem_shared>>)
      tpu.yield
    }) : () -> ()
    "tpu.region"() ({
      %run_scoped3A = tpu.sem_alloc : memref<!tpu.dma_semaphore, #tpu.memory_space<semaphore_mem>>
      tpu.enqueue_dma source(%arg4 : memref<128x128xf32, #tpu.memory_space<hbm>>) target(%arg7 : memref<128x128xf32, #tpu.memory_space<vmem>>) target_semaphore(%run_scoped3A : memref<!tpu.dma_semaphore, #tpu.memory_space<semaphore_mem>>)
      tpu.wait_dma2 semaphore(%run_scoped3A : memref<!tpu.dma_semaphore, #tpu.memory_space<semaphore_mem>>) src(%arg4 : memref<128x128xf32, #tpu.memory_space<hbm>>) dst(%arg7 : memref<128x128xf32, #tpu.memory_space<vmem>>)
      tpu.yield
    }) : () -> ()
    "tpu.region"() ({
      %run_scoped3A = tpu.sem_alloc : memref<!tpu.dma_semaphore, #tpu.memory_space<semaphore_mem>>
      %dma_start3A = arith.constant 0 : i32
      %dma_start3A_9 = arith.constant 0 : i32
      %dma_start3A_10 = tpu.memref_slice %arg6[%dma_start3A, %dma_start3A_9] : memref<104x128xi32, #tpu.memory_space<vmem>> -> memref<79x128xi32, #tpu.memory_space<vmem>>
      %dma_start3A_11 = arith.constant 0 : i32
      %dma_start3A_12 = arith.constant 0 : i32
      %dma_start3A_13 = tpu.memref_slice %arg2[%add3A, %dma_start3A_11, %dma_start3A_12] : memref<32x79x128xi32, #tpu.memory_space<hbm>> -> memref<1x79x128xi32, #tpu.memory_space<hbm>>
      %dma_start3A_14 = tpu.memref_squeeze %dma_start3A_13 : memref<1x79x128xi32, #tpu.memory_space<hbm>> -> memref<79x128xi32, #tpu.memory_space<hbm>>
      %dma_start3A_15 = arith.constant 0 : i32
      %dma_start3A_16 = arith.constant 0 : i32
      %dma_start3A_17 = tpu.memref_slice %arg6[%dma_start3A_15, %dma_start3A_16] : memref<104x128xi32, #tpu.memory_space<vmem>> -> memref<79x128xi32, #tpu.memory_space<vmem>>
      %dma_start3A_18 = arith.constant 0 : i32
      %dma_start3A_19 = arith.constant 0 : i32
      %dma_start3A_20 = tpu.memref_slice %arg2[%add3A, %dma_start3A_18, %dma_start3A_19] : memref<32x79x128xi32, #tpu.memory_space<hbm>> -> memref<1x79x128xi32, #tpu.memory_space<hbm>>
      %dma_start3A_21 = tpu.memref_squeeze %dma_start3A_20 : memref<1x79x128xi32, #tpu.memory_space<hbm>> -> memref<79x128xi32, #tpu.memory_space<hbm>>
      tpu.enqueue_dma source(%dma_start3A_21 : memref<79x128xi32, #tpu.memory_space<hbm>>) target(%dma_start3A_17 : memref<79x128xi32, #tpu.memory_space<vmem>>) target_semaphore(%run_scoped3A : memref<!tpu.dma_semaphore, #tpu.memory_space<semaphore_mem>>)
      %dma_wait3A = arith.constant 0 : i32
      %dma_wait3A_22 = arith.constant 0 : i32
      %dma_wait3A_23 = tpu.memref_slice %arg6[%dma_wait3A, %dma_wait3A_22] : memref<104x128xi32, #tpu.memory_space<vmem>> -> memref<79x128xi32, #tpu.memory_space<vmem>>
      %dma_wait3A_24 = arith.constant 0 : i32
      %dma_wait3A_25 = arith.constant 0 : i32
      %dma_wait3A_26 = tpu.memref_slice %arg2[%add3A, %dma_wait3A_24, %dma_wait3A_25] : memref<32x79x128xi32, #tpu.memory_space<hbm>> -> memref<1x79x128xi32, #tpu.memory_space<hbm>>
      %dma_wait3A_27 = tpu.memref_squeeze %dma_wait3A_26 : memref<1x79x128xi32, #tpu.memory_space<hbm>> -> memref<79x128xi32, #tpu.memory_space<hbm>>
      %dma_wait3A_28 = arith.constant 0 : i32
      %dma_wait3A_29 = arith.constant 0 : i32
      %dma_wait3A_30 = tpu.memref_slice %arg6[%dma_wait3A_28, %dma_wait3A_29] : memref<104x128xi32, #tpu.memory_space<vmem>> -> memref<79x128xi32, #tpu.memory_space<vmem>>
      %dma_wait3A_31 = arith.constant 0 : i32
      %dma_wait3A_32 = arith.constant 0 : i32
      %dma_wait3A_33 = tpu.memref_slice %arg2[%add3A, %dma_wait3A_31, %dma_wait3A_32] : memref<32x79x128xi32, #tpu.memory_space<hbm>> -> memref<1x79x128xi32, #tpu.memory_space<hbm>>
      %dma_wait3A_34 = tpu.memref_squeeze %dma_wait3A_33 : memref<1x79x128xi32, #tpu.memory_space<hbm>> -> memref<79x128xi32, #tpu.memory_space<hbm>>
      tpu.wait_dma2 semaphore(%run_scoped3A : memref<!tpu.dma_semaphore, #tpu.memory_space<semaphore_mem>>) src(%dma_wait3A_34 : memref<79x128xi32, #tpu.memory_space<hbm>>) dst(%dma_wait3A_30 : memref<79x128xi32, #tpu.memory_space<vmem>>)
      tpu.yield
    }) : () -> ()
    %barrier3A = arith.constant 0 : index
    tpu.barrier barrier_id(%barrier3A)
    %scan3A = arith.constant 0 : i32
    %scan3A_3 = arith.constant 0 : i32
    %scan3A_4 = arith.constant 79 : i32
    %scan3A_5 = arith.addi %scan3A_3, %scan3A_4 : i32
    %scan3A_6 = arith.constant 1 : i32
    scf.for %scan3A_9 = %scan3A_3 to %scan3A_5 step %scan3A_6  : i32 {
      "tpu.region"() ({
        %run_scoped3A = tpu.sem_alloc : memref<!tpu.dma_semaphore, #tpu.memory_space<semaphore_mem>>
        %dma_start3A = arith.constant 0 : i32
        %dma_start3A_10 = tpu.memref_slice %arg6[%scan3A_9, %dma_start3A] : memref<104x128xi32, #tpu.memory_space<vmem>> -> memref<1x128xi32, #tpu.memory_space<vmem>>
        %dma_start3A_11 = tpu.memref_squeeze %dma_start3A_10 : memref<1x128xi32, #tpu.memory_space<vmem>> -> memref<128xi32, #tpu.memory_space<vmem>>
        %dma_start3A_12 = arith.constant 0 : i32
        %dma_start3A_13 = arith.constant 0 : i32
        %dma_start3A_14 = tpu.memref_slice %arg8[%dma_start3A_12, %dma_start3A_13] : memref<10240x128xf32, #tpu.memory_space<vmem_shared>> -> memref<10240x128xf32, #tpu.memory_space<vmem_shared>>
        tpu.enqueue_indirect_dma source(%arg7 : memref<128x128xf32, #tpu.memory_space<vmem>>) target(%dma_start3A_14 : memref<10240x128xf32, #tpu.memory_space<vmem_shared>>) offsets(%dma_start3A_11 : memref<128xi32, #tpu.memory_space<vmem>>) semaphore(%run_scoped3A : memref<!tpu.dma_semaphore, #tpu.memory_space<semaphore_mem>>) {add = true}
        %dma_wait3A = arith.constant 0 : i32
        %dma_wait3A_15 = tpu.memref_slice %arg6[%scan3A_9, %dma_wait3A] : memref<104x128xi32, #tpu.memory_space<vmem>> -> memref<1x128xi32, #tpu.memory_space<vmem>>
        %dma_wait3A_16 = tpu.memref_squeeze %dma_wait3A_15 : memref<1x128xi32, #tpu.memory_space<vmem>> -> memref<128xi32, #tpu.memory_space<vmem>>
        %dma_wait3A_17 = arith.constant 0 : i32
        %dma_wait3A_18 = arith.constant 0 : i32
        %dma_wait3A_19 = tpu.memref_slice %arg8[%dma_wait3A_17, %dma_wait3A_18] : memref<10240x128xf32, #tpu.memory_space<vmem_shared>> -> memref<10240x128xf32, #tpu.memory_space<vmem_shared>>
        tpu.wait_indirect_dma semaphore(%run_scoped3A : memref<!tpu.dma_semaphore, #tpu.memory_space<semaphore_mem>>) src(%arg7 : memref<128x128xf32, #tpu.memory_space<vmem>>) dst(%dma_wait3A_19 : memref<10240x128xf32, #tpu.memory_space<vmem_shared>>)
        tpu.yield
      }) : () -> ()
    }
    %scan3A_7 = arith.constant 79 : i32
    %barrier3A_8 = arith.constant 0 : index
    tpu.barrier barrier_id(%barrier3A_8)
    "tpu.region"() ({
      %run_scoped3A = tpu.sem_alloc : memref<!tpu.dma_semaphore, #tpu.memory_space<semaphore_mem>>
      %dma_start3A = arith.constant 0 : i32
      %dma_start3A_9 = tpu.memref_slice %arg5[%arg0, %mul3A_2, %dma_start3A] : memref<2x10240x128xf32, #tpu.memory_space<hbm>> -> memref<1x640x128xf32, #tpu.memory_space<hbm>>
      %dma_start3A_10 = tpu.memref_squeeze %dma_start3A_9 : memref<1x640x128xf32, #tpu.memory_space<hbm>> -> memref<640x128xf32, #tpu.memory_space<hbm>>
      %dma_start3A_11 = arith.constant 0 : i32
      %dma_start3A_12 = tpu.memref_slice %arg8[%mul3A_2, %dma_start3A_11] : memref<10240x128xf32, #tpu.memory_space<vmem_shared>> -> memref<640x128xf32, #tpu.memory_space<vmem_shared>>
      tpu.enqueue_dma source(%dma_start3A_12 : memref<640x128xf32, #tpu.memory_space<vmem_shared>>) target(%dma_start3A_10 : memref<640x128xf32, #tpu.memory_space<hbm>>) target_semaphore(%run_scoped3A : memref<!tpu.dma_semaphore, #tpu.memory_space<semaphore_mem>>)
      %dma_wait3A = arith.constant 0 : i32
      %dma_wait3A_13 = tpu.memref_slice %arg5[%arg0, %mul3A_2, %dma_wait3A] : memref<2x10240x128xf32, #tpu.memory_space<hbm>> -> memref<1x640x128xf32, #tpu.memory_space<hbm>>
      %dma_wait3A_14 = tpu.memref_squeeze %dma_wait3A_13 : memref<1x640x128xf32, #tpu.memory_space<hbm>> -> memref<640x128xf32, #tpu.memory_space<hbm>>
      %dma_wait3A_15 = arith.constant 0 : i32
      %dma_wait3A_16 = tpu.memref_slice %arg8[%mul3A_2, %dma_wait3A_15] : memref<10240x128xf32, #tpu.memory_space<vmem_shared>> -> memref<640x128xf32, #tpu.memory_space<vmem_shared>>
      tpu.wait_dma2 semaphore(%run_scoped3A : memref<!tpu.dma_semaphore, #tpu.memory_space<semaphore_mem>>) src(%dma_wait3A_16 : memref<640x128xf32, #tpu.memory_space<vmem_shared>>) dst(%dma_wait3A_14 : memref<640x128xf32, #tpu.memory_space<hbm>>)
      tpu.yield
    }) : () -> ()
    return
  }
}

#map = affine_map<(d0, d1) -> (0, 0)>
#map1 = affine_map<(d0, d1) -> (0, 0, 0)>
module attributes {stable_mosaic.version = 14 : i64} {
  func.func @_sc_agg_body(%arg0: i32, %arg1: i32, %arg2: memref<10240x128xf32, #tpu.memory_space<hbm>>, %arg3: memref<16x104x128xi32, #tpu.memory_space<hbm>>, %arg4: memref<16x104x128xi32, #tpu.memory_space<hbm>>, %arg5: memref<16x54x128xi32, #tpu.memory_space<hbm>>, %arg6: memref<16x54x128xi32, #tpu.memory_space<hbm>>, %arg7: memref<10240x128xf32, #tpu.memory_space<hbm>>, %arg8: memref<2x10240x128xf32, #tpu.memory_space<hbm>>, %arg9: memref<104x128xi32, #tpu.memory_space<vmem>>, %arg10: memref<104x128xi32, #tpu.memory_space<vmem>>, %arg11: memref<128x128xf32, #tpu.memory_space<vmem>>, %arg12: memref<10240x128xf32, #tpu.memory_space<vmem_shared>>) attributes {dimension_semantics = [#tpu.dimension_semantics<core_parallel>, #tpu.dimension_semantics<subcore_parallel>], iteration_bounds = array<i64: 2, 16>, scalar_prefetch = 0 : i64, scratch_operands = 4 : i64, tpu.core_type = #tpu.core_type<sc_vector_subcore>, window_params = [{transform_indices = #map}, {transform_indices = #map1}, {transform_indices = #map1}, {transform_indices = #map1}, {transform_indices = #map1}, {transform_indices = #map}, {transform_indices = #map1}]} {
    %mul3A = arith.constant 640 : i32
    %mul3A_0 = arith.muli %arg1, %mul3A : i32
    "tpu.region"() ({
      %run_scoped3A = tpu.sem_alloc : memref<!tpu.dma_semaphore, #tpu.memory_space<semaphore_mem>>
      %dma_start3A = arith.constant 0 : i32
      %dma_start3A_21 = tpu.memref_slice %arg12[%mul3A_0, %dma_start3A] : memref<10240x128xf32, #tpu.memory_space<vmem_shared>> -> memref<640x128xf32, #tpu.memory_space<vmem_shared>>
      %dma_start3A_22 = arith.constant 0 : i32
      %dma_start3A_23 = tpu.memref_slice %arg7[%mul3A_0, %dma_start3A_22] : memref<10240x128xf32, #tpu.memory_space<hbm>> -> memref<640x128xf32, #tpu.memory_space<hbm>>
      tpu.enqueue_dma source(%dma_start3A_23 : memref<640x128xf32, #tpu.memory_space<hbm>>) target(%dma_start3A_21 : memref<640x128xf32, #tpu.memory_space<vmem_shared>>) target_semaphore(%run_scoped3A : memref<!tpu.dma_semaphore, #tpu.memory_space<semaphore_mem>>)
      %dma_wait3A = arith.constant 0 : i32
      %dma_wait3A_24 = tpu.memref_slice %arg12[%mul3A_0, %dma_wait3A] : memref<10240x128xf32, #tpu.memory_space<vmem_shared>> -> memref<640x128xf32, #tpu.memory_space<vmem_shared>>
      %dma_wait3A_25 = arith.constant 0 : i32
      %dma_wait3A_26 = tpu.memref_slice %arg7[%mul3A_0, %dma_wait3A_25] : memref<10240x128xf32, #tpu.memory_space<hbm>> -> memref<640x128xf32, #tpu.memory_space<hbm>>
      tpu.wait_dma2 semaphore(%run_scoped3A : memref<!tpu.dma_semaphore, #tpu.memory_space<semaphore_mem>>) src(%dma_wait3A_26 : memref<640x128xf32, #tpu.memory_space<hbm>>) dst(%dma_wait3A_24 : memref<640x128xf32, #tpu.memory_space<vmem_shared>>)
      tpu.yield
    }) : () -> ()
    %eq3A = arith.constant 0 : i32
    %eq3A_1 = arith.cmpi eq, %arg0, %eq3A : i32
    %convert_element_type3A = arith.extui %eq3A_1 : i1 to i32
    %cond3A = arith.constant 0 : i32
    %cond3A_2 = arith.cmpi ne, %convert_element_type3A, %cond3A : i32
    scf.if %cond3A_2 {
      "tpu.region"() ({
        %run_scoped3A = tpu.sem_alloc : memref<!tpu.dma_semaphore, #tpu.memory_space<semaphore_mem>>
        %dma_start3A = arith.constant 0 : i32
        %dma_start3A_21 = arith.constant 0 : i32
        %dma_start3A_22 = tpu.memref_slice %arg9[%dma_start3A, %dma_start3A_21] : memref<104x128xi32, #tpu.memory_space<vmem>> -> memref<104x128xi32, #tpu.memory_space<vmem>>
        %dma_start3A_23 = arith.constant 0 : i32
        %dma_start3A_24 = arith.constant 0 : i32
        %dma_start3A_25 = tpu.memref_slice %arg3[%arg1, %dma_start3A_23, %dma_start3A_24] : memref<16x104x128xi32, #tpu.memory_space<hbm>> -> memref<1x104x128xi32, #tpu.memory_space<hbm>>
        %dma_start3A_26 = tpu.memref_squeeze %dma_start3A_25 : memref<1x104x128xi32, #tpu.memory_space<hbm>> -> memref<104x128xi32, #tpu.memory_space<hbm>>
        %dma_start3A_27 = arith.constant 0 : i32
        %dma_start3A_28 = arith.constant 0 : i32
        %dma_start3A_29 = tpu.memref_slice %arg9[%dma_start3A_27, %dma_start3A_28] : memref<104x128xi32, #tpu.memory_space<vmem>> -> memref<104x128xi32, #tpu.memory_space<vmem>>
        %dma_start3A_30 = arith.constant 0 : i32
        %dma_start3A_31 = arith.constant 0 : i32
        %dma_start3A_32 = tpu.memref_slice %arg3[%arg1, %dma_start3A_30, %dma_start3A_31] : memref<16x104x128xi32, #tpu.memory_space<hbm>> -> memref<1x104x128xi32, #tpu.memory_space<hbm>>
        %dma_start3A_33 = tpu.memref_squeeze %dma_start3A_32 : memref<1x104x128xi32, #tpu.memory_space<hbm>> -> memref<104x128xi32, #tpu.memory_space<hbm>>
        tpu.enqueue_dma source(%dma_start3A_33 : memref<104x128xi32, #tpu.memory_space<hbm>>) target(%dma_start3A_29 : memref<104x128xi32, #tpu.memory_space<vmem>>) target_semaphore(%run_scoped3A : memref<!tpu.dma_semaphore, #tpu.memory_space<semaphore_mem>>)
        %dma_wait3A = arith.constant 0 : i32
        %dma_wait3A_34 = arith.constant 0 : i32
        %dma_wait3A_35 = tpu.memref_slice %arg9[%dma_wait3A, %dma_wait3A_34] : memref<104x128xi32, #tpu.memory_space<vmem>> -> memref<104x128xi32, #tpu.memory_space<vmem>>
        %dma_wait3A_36 = arith.constant 0 : i32
        %dma_wait3A_37 = arith.constant 0 : i32
        %dma_wait3A_38 = tpu.memref_slice %arg3[%arg1, %dma_wait3A_36, %dma_wait3A_37] : memref<16x104x128xi32, #tpu.memory_space<hbm>> -> memref<1x104x128xi32, #tpu.memory_space<hbm>>
        %dma_wait3A_39 = tpu.memref_squeeze %dma_wait3A_38 : memref<1x104x128xi32, #tpu.memory_space<hbm>> -> memref<104x128xi32, #tpu.memory_space<hbm>>
        %dma_wait3A_40 = arith.constant 0 : i32
        %dma_wait3A_41 = arith.constant 0 : i32
        %dma_wait3A_42 = tpu.memref_slice %arg9[%dma_wait3A_40, %dma_wait3A_41] : memref<104x128xi32, #tpu.memory_space<vmem>> -> memref<104x128xi32, #tpu.memory_space<vmem>>
        %dma_wait3A_43 = arith.constant 0 : i32
        %dma_wait3A_44 = arith.constant 0 : i32
        %dma_wait3A_45 = tpu.memref_slice %arg3[%arg1, %dma_wait3A_43, %dma_wait3A_44] : memref<16x104x128xi32, #tpu.memory_space<hbm>> -> memref<1x104x128xi32, #tpu.memory_space<hbm>>
        %dma_wait3A_46 = tpu.memref_squeeze %dma_wait3A_45 : memref<1x104x128xi32, #tpu.memory_space<hbm>> -> memref<104x128xi32, #tpu.memory_space<hbm>>
        tpu.wait_dma2 semaphore(%run_scoped3A : memref<!tpu.dma_semaphore, #tpu.memory_space<semaphore_mem>>) src(%dma_wait3A_46 : memref<104x128xi32, #tpu.memory_space<hbm>>) dst(%dma_wait3A_42 : memref<104x128xi32, #tpu.memory_space<vmem>>)
        tpu.yield
      }) : () -> ()
      "tpu.region"() ({
        %run_scoped3A = tpu.sem_alloc : memref<!tpu.dma_semaphore, #tpu.memory_space<semaphore_mem>>
        %dma_start3A = arith.constant 0 : i32
        %dma_start3A_21 = arith.constant 0 : i32
        %dma_start3A_22 = tpu.memref_slice %arg10[%dma_start3A, %dma_start3A_21] : memref<104x128xi32, #tpu.memory_space<vmem>> -> memref<104x128xi32, #tpu.memory_space<vmem>>
        %dma_start3A_23 = arith.constant 0 : i32
        %dma_start3A_24 = arith.constant 0 : i32
        %dma_start3A_25 = tpu.memref_slice %arg4[%arg1, %dma_start3A_23, %dma_start3A_24] : memref<16x104x128xi32, #tpu.memory_space<hbm>> -> memref<1x104x128xi32, #tpu.memory_space<hbm>>
        %dma_start3A_26 = tpu.memref_squeeze %dma_start3A_25 : memref<1x104x128xi32, #tpu.memory_space<hbm>> -> memref<104x128xi32, #tpu.memory_space<hbm>>
        %dma_start3A_27 = arith.constant 0 : i32
        %dma_start3A_28 = arith.constant 0 : i32
        %dma_start3A_29 = tpu.memref_slice %arg10[%dma_start3A_27, %dma_start3A_28] : memref<104x128xi32, #tpu.memory_space<vmem>> -> memref<104x128xi32, #tpu.memory_space<vmem>>
        %dma_start3A_30 = arith.constant 0 : i32
        %dma_start3A_31 = arith.constant 0 : i32
        %dma_start3A_32 = tpu.memref_slice %arg4[%arg1, %dma_start3A_30, %dma_start3A_31] : memref<16x104x128xi32, #tpu.memory_space<hbm>> -> memref<1x104x128xi32, #tpu.memory_space<hbm>>
        %dma_start3A_33 = tpu.memref_squeeze %dma_start3A_32 : memref<1x104x128xi32, #tpu.memory_space<hbm>> -> memref<104x128xi32, #tpu.memory_space<hbm>>
        tpu.enqueue_dma source(%dma_start3A_33 : memref<104x128xi32, #tpu.memory_space<hbm>>) target(%dma_start3A_29 : memref<104x128xi32, #tpu.memory_space<vmem>>) target_semaphore(%run_scoped3A : memref<!tpu.dma_semaphore, #tpu.memory_space<semaphore_mem>>)
        %dma_wait3A = arith.constant 0 : i32
        %dma_wait3A_34 = arith.constant 0 : i32
        %dma_wait3A_35 = tpu.memref_slice %arg10[%dma_wait3A, %dma_wait3A_34] : memref<104x128xi32, #tpu.memory_space<vmem>> -> memref<104x128xi32, #tpu.memory_space<vmem>>
        %dma_wait3A_36 = arith.constant 0 : i32
        %dma_wait3A_37 = arith.constant 0 : i32
        %dma_wait3A_38 = tpu.memref_slice %arg4[%arg1, %dma_wait3A_36, %dma_wait3A_37] : memref<16x104x128xi32, #tpu.memory_space<hbm>> -> memref<1x104x128xi32, #tpu.memory_space<hbm>>
        %dma_wait3A_39 = tpu.memref_squeeze %dma_wait3A_38 : memref<1x104x128xi32, #tpu.memory_space<hbm>> -> memref<104x128xi32, #tpu.memory_space<hbm>>
        %dma_wait3A_40 = arith.constant 0 : i32
        %dma_wait3A_41 = arith.constant 0 : i32
        %dma_wait3A_42 = tpu.memref_slice %arg10[%dma_wait3A_40, %dma_wait3A_41] : memref<104x128xi32, #tpu.memory_space<vmem>> -> memref<104x128xi32, #tpu.memory_space<vmem>>
        %dma_wait3A_43 = arith.constant 0 : i32
        %dma_wait3A_44 = arith.constant 0 : i32
        %dma_wait3A_45 = tpu.memref_slice %arg4[%arg1, %dma_wait3A_43, %dma_wait3A_44] : memref<16x104x128xi32, #tpu.memory_space<hbm>> -> memref<1x104x128xi32, #tpu.memory_space<hbm>>
        %dma_wait3A_46 = tpu.memref_squeeze %dma_wait3A_45 : memref<1x104x128xi32, #tpu.memory_space<hbm>> -> memref<104x128xi32, #tpu.memory_space<hbm>>
        tpu.wait_dma2 semaphore(%run_scoped3A : memref<!tpu.dma_semaphore, #tpu.memory_space<semaphore_mem>>) src(%dma_wait3A_46 : memref<104x128xi32, #tpu.memory_space<hbm>>) dst(%dma_wait3A_42 : memref<104x128xi32, #tpu.memory_space<vmem>>)
        tpu.yield
      }) : () -> ()
    } else {
    }
    %eq3A_3 = arith.constant 1 : i32
    %eq3A_4 = arith.cmpi eq, %arg0, %eq3A_3 : i32
    %convert_element_type3A_5 = arith.extui %eq3A_4 : i1 to i32
    %cond3A_6 = arith.constant 0 : i32
    %cond3A_7 = arith.cmpi ne, %convert_element_type3A_5, %cond3A_6 : i32
    scf.if %cond3A_7 {
      "tpu.region"() ({
        %run_scoped3A = tpu.sem_alloc : memref<!tpu.dma_semaphore, #tpu.memory_space<semaphore_mem>>
        %dma_start3A = arith.constant 0 : i32
        %dma_start3A_21 = arith.constant 0 : i32
        %dma_start3A_22 = tpu.memref_slice %arg9[%dma_start3A, %dma_start3A_21] : memref<104x128xi32, #tpu.memory_space<vmem>> -> memref<54x128xi32, #tpu.memory_space<vmem>>
        %dma_start3A_23 = arith.constant 0 : i32
        %dma_start3A_24 = arith.constant 0 : i32
        %dma_start3A_25 = tpu.memref_slice %arg5[%arg1, %dma_start3A_23, %dma_start3A_24] : memref<16x54x128xi32, #tpu.memory_space<hbm>> -> memref<1x54x128xi32, #tpu.memory_space<hbm>>
        %dma_start3A_26 = tpu.memref_squeeze %dma_start3A_25 : memref<1x54x128xi32, #tpu.memory_space<hbm>> -> memref<54x128xi32, #tpu.memory_space<hbm>>
        %dma_start3A_27 = arith.constant 0 : i32
        %dma_start3A_28 = arith.constant 0 : i32
        %dma_start3A_29 = tpu.memref_slice %arg9[%dma_start3A_27, %dma_start3A_28] : memref<104x128xi32, #tpu.memory_space<vmem>> -> memref<54x128xi32, #tpu.memory_space<vmem>>
        %dma_start3A_30 = arith.constant 0 : i32
        %dma_start3A_31 = arith.constant 0 : i32
        %dma_start3A_32 = tpu.memref_slice %arg5[%arg1, %dma_start3A_30, %dma_start3A_31] : memref<16x54x128xi32, #tpu.memory_space<hbm>> -> memref<1x54x128xi32, #tpu.memory_space<hbm>>
        %dma_start3A_33 = tpu.memref_squeeze %dma_start3A_32 : memref<1x54x128xi32, #tpu.memory_space<hbm>> -> memref<54x128xi32, #tpu.memory_space<hbm>>
        tpu.enqueue_dma source(%dma_start3A_33 : memref<54x128xi32, #tpu.memory_space<hbm>>) target(%dma_start3A_29 : memref<54x128xi32, #tpu.memory_space<vmem>>) target_semaphore(%run_scoped3A : memref<!tpu.dma_semaphore, #tpu.memory_space<semaphore_mem>>)
        %dma_wait3A = arith.constant 0 : i32
        %dma_wait3A_34 = arith.constant 0 : i32
        %dma_wait3A_35 = tpu.memref_slice %arg9[%dma_wait3A, %dma_wait3A_34] : memref<104x128xi32, #tpu.memory_space<vmem>> -> memref<54x128xi32, #tpu.memory_space<vmem>>
        %dma_wait3A_36 = arith.constant 0 : i32
        %dma_wait3A_37 = arith.constant 0 : i32
        %dma_wait3A_38 = tpu.memref_slice %arg5[%arg1, %dma_wait3A_36, %dma_wait3A_37] : memref<16x54x128xi32, #tpu.memory_space<hbm>> -> memref<1x54x128xi32, #tpu.memory_space<hbm>>
        %dma_wait3A_39 = tpu.memref_squeeze %dma_wait3A_38 : memref<1x54x128xi32, #tpu.memory_space<hbm>> -> memref<54x128xi32, #tpu.memory_space<hbm>>
        %dma_wait3A_40 = arith.constant 0 : i32
        %dma_wait3A_41 = arith.constant 0 : i32
        %dma_wait3A_42 = tpu.memref_slice %arg9[%dma_wait3A_40, %dma_wait3A_41] : memref<104x128xi32, #tpu.memory_space<vmem>> -> memref<54x128xi32, #tpu.memory_space<vmem>>
        %dma_wait3A_43 = arith.constant 0 : i32
        %dma_wait3A_44 = arith.constant 0 : i32
        %dma_wait3A_45 = tpu.memref_slice %arg5[%arg1, %dma_wait3A_43, %dma_wait3A_44] : memref<16x54x128xi32, #tpu.memory_space<hbm>> -> memref<1x54x128xi32, #tpu.memory_space<hbm>>
        %dma_wait3A_46 = tpu.memref_squeeze %dma_wait3A_45 : memref<1x54x128xi32, #tpu.memory_space<hbm>> -> memref<54x128xi32, #tpu.memory_space<hbm>>
        tpu.wait_dma2 semaphore(%run_scoped3A : memref<!tpu.dma_semaphore, #tpu.memory_space<semaphore_mem>>) src(%dma_wait3A_46 : memref<54x128xi32, #tpu.memory_space<hbm>>) dst(%dma_wait3A_42 : memref<54x128xi32, #tpu.memory_space<vmem>>)
        tpu.yield
      }) : () -> ()
      "tpu.region"() ({
        %run_scoped3A = tpu.sem_alloc : memref<!tpu.dma_semaphore, #tpu.memory_space<semaphore_mem>>
        %dma_start3A = arith.constant 0 : i32
        %dma_start3A_21 = arith.constant 0 : i32
        %dma_start3A_22 = tpu.memref_slice %arg10[%dma_start3A, %dma_start3A_21] : memref<104x128xi32, #tpu.memory_space<vmem>> -> memref<54x128xi32, #tpu.memory_space<vmem>>
        %dma_start3A_23 = arith.constant 0 : i32
        %dma_start3A_24 = arith.constant 0 : i32
        %dma_start3A_25 = tpu.memref_slice %arg6[%arg1, %dma_start3A_23, %dma_start3A_24] : memref<16x54x128xi32, #tpu.memory_space<hbm>> -> memref<1x54x128xi32, #tpu.memory_space<hbm>>
        %dma_start3A_26 = tpu.memref_squeeze %dma_start3A_25 : memref<1x54x128xi32, #tpu.memory_space<hbm>> -> memref<54x128xi32, #tpu.memory_space<hbm>>
        %dma_start3A_27 = arith.constant 0 : i32
        %dma_start3A_28 = arith.constant 0 : i32
        %dma_start3A_29 = tpu.memref_slice %arg10[%dma_start3A_27, %dma_start3A_28] : memref<104x128xi32, #tpu.memory_space<vmem>> -> memref<54x128xi32, #tpu.memory_space<vmem>>
        %dma_start3A_30 = arith.constant 0 : i32
        %dma_start3A_31 = arith.constant 0 : i32
        %dma_start3A_32 = tpu.memref_slice %arg6[%arg1, %dma_start3A_30, %dma_start3A_31] : memref<16x54x128xi32, #tpu.memory_space<hbm>> -> memref<1x54x128xi32, #tpu.memory_space<hbm>>
        %dma_start3A_33 = tpu.memref_squeeze %dma_start3A_32 : memref<1x54x128xi32, #tpu.memory_space<hbm>> -> memref<54x128xi32, #tpu.memory_space<hbm>>
        tpu.enqueue_dma source(%dma_start3A_33 : memref<54x128xi32, #tpu.memory_space<hbm>>) target(%dma_start3A_29 : memref<54x128xi32, #tpu.memory_space<vmem>>) target_semaphore(%run_scoped3A : memref<!tpu.dma_semaphore, #tpu.memory_space<semaphore_mem>>)
        %dma_wait3A = arith.constant 0 : i32
        %dma_wait3A_34 = arith.constant 0 : i32
        %dma_wait3A_35 = tpu.memref_slice %arg10[%dma_wait3A, %dma_wait3A_34] : memref<104x128xi32, #tpu.memory_space<vmem>> -> memref<54x128xi32, #tpu.memory_space<vmem>>
        %dma_wait3A_36 = arith.constant 0 : i32
        %dma_wait3A_37 = arith.constant 0 : i32
        %dma_wait3A_38 = tpu.memref_slice %arg6[%arg1, %dma_wait3A_36, %dma_wait3A_37] : memref<16x54x128xi32, #tpu.memory_space<hbm>> -> memref<1x54x128xi32, #tpu.memory_space<hbm>>
        %dma_wait3A_39 = tpu.memref_squeeze %dma_wait3A_38 : memref<1x54x128xi32, #tpu.memory_space<hbm>> -> memref<54x128xi32, #tpu.memory_space<hbm>>
        %dma_wait3A_40 = arith.constant 0 : i32
        %dma_wait3A_41 = arith.constant 0 : i32
        %dma_wait3A_42 = tpu.memref_slice %arg10[%dma_wait3A_40, %dma_wait3A_41] : memref<104x128xi32, #tpu.memory_space<vmem>> -> memref<54x128xi32, #tpu.memory_space<vmem>>
        %dma_wait3A_43 = arith.constant 0 : i32
        %dma_wait3A_44 = arith.constant 0 : i32
        %dma_wait3A_45 = tpu.memref_slice %arg6[%arg1, %dma_wait3A_43, %dma_wait3A_44] : memref<16x54x128xi32, #tpu.memory_space<hbm>> -> memref<1x54x128xi32, #tpu.memory_space<hbm>>
        %dma_wait3A_46 = tpu.memref_squeeze %dma_wait3A_45 : memref<1x54x128xi32, #tpu.memory_space<hbm>> -> memref<54x128xi32, #tpu.memory_space<hbm>>
        tpu.wait_dma2 semaphore(%run_scoped3A : memref<!tpu.dma_semaphore, #tpu.memory_space<semaphore_mem>>) src(%dma_wait3A_46 : memref<54x128xi32, #tpu.memory_space<hbm>>) dst(%dma_wait3A_42 : memref<54x128xi32, #tpu.memory_space<vmem>>)
        tpu.yield
      }) : () -> ()
    } else {
    }
    %barrier3A = arith.constant 0 : index
    tpu.barrier barrier_id(%barrier3A)
    %eq3A_8 = arith.constant 0 : i32
    %eq3A_9 = arith.cmpi eq, %arg0, %eq3A_8 : i32
    %jit3A = arith.constant 104 : i32
    %jit3A_10 = arith.constant 54 : i32
    %select_n3A = arith.select %eq3A_9, %jit3A, %jit3A_10 : i32
    %while3A = arith.constant 0 : i32
    %while3A_11 = arith.constant 0 : i32
    %while3A_12 = arith.subi %select_n3A, %while3A_11 : i32
    %while3A_13 = arith.addi %while3A_11, %while3A_12 : i32
    %while3A_14 = arith.constant 1 : i32
    %while3A_15 = arith.divsi %while3A_12, %while3A_14 : i32
    %while3A_16 = arith.muli %while3A_15, %while3A_14 : i32
    %while3A_17 = arith.addi %while3A_11, %while3A_16 : i32
    %while3A_18 = arith.constant 1 : i32
    scf.for %while3A_21 = %while3A_11 to %while3A_17 step %while3A_18  : i32 {
      "tpu.region"() ({
        %run_scoped3A = tpu.sem_alloc : memref<!tpu.dma_semaphore, #tpu.memory_space<semaphore_mem>>
        %dma_start3A = arith.constant 0 : i32
        %dma_start3A_22 = tpu.memref_slice %arg9[%while3A_21, %dma_start3A] : memref<104x128xi32, #tpu.memory_space<vmem>> -> memref<1x128xi32, #tpu.memory_space<vmem>>
        %dma_start3A_23 = tpu.memref_squeeze %dma_start3A_22 : memref<1x128xi32, #tpu.memory_space<vmem>> -> memref<128xi32, #tpu.memory_space<vmem>>
        %dma_start3A_24 = arith.constant 0 : i32
        %dma_start3A_25 = arith.constant 0 : i32
        %dma_start3A_26 = tpu.memref_slice %arg2[%dma_start3A_24, %dma_start3A_25] : memref<10240x128xf32, #tpu.memory_space<hbm>> -> memref<10240x128xf32, #tpu.memory_space<hbm>>
        tpu.enqueue_indirect_dma source(%dma_start3A_26 : memref<10240x128xf32, #tpu.memory_space<hbm>>) target(%arg11 : memref<128x128xf32, #tpu.memory_space<vmem>>) offsets(%dma_start3A_23 : memref<128xi32, #tpu.memory_space<vmem>>) semaphore(%run_scoped3A : memref<!tpu.dma_semaphore, #tpu.memory_space<semaphore_mem>>)
        %dma_wait3A = arith.constant 0 : i32
        %dma_wait3A_27 = tpu.memref_slice %arg9[%while3A_21, %dma_wait3A] : memref<104x128xi32, #tpu.memory_space<vmem>> -> memref<1x128xi32, #tpu.memory_space<vmem>>
        %dma_wait3A_28 = tpu.memref_squeeze %dma_wait3A_27 : memref<1x128xi32, #tpu.memory_space<vmem>> -> memref<128xi32, #tpu.memory_space<vmem>>
        %dma_wait3A_29 = arith.constant 0 : i32
        %dma_wait3A_30 = arith.constant 0 : i32
        %dma_wait3A_31 = tpu.memref_slice %arg2[%dma_wait3A_29, %dma_wait3A_30] : memref<10240x128xf32, #tpu.memory_space<hbm>> -> memref<10240x128xf32, #tpu.memory_space<hbm>>
        tpu.wait_indirect_dma semaphore(%run_scoped3A : memref<!tpu.dma_semaphore, #tpu.memory_space<semaphore_mem>>) src(%dma_wait3A_31 : memref<10240x128xf32, #tpu.memory_space<hbm>>) dst(%arg11 : memref<128x128xf32, #tpu.memory_space<vmem>>)
        tpu.yield
      }) : () -> ()
      "tpu.region"() ({
        %run_scoped3A = tpu.sem_alloc : memref<!tpu.dma_semaphore, #tpu.memory_space<semaphore_mem>>
        %dma_start3A = arith.constant 0 : i32
        %dma_start3A_22 = tpu.memref_slice %arg10[%while3A_21, %dma_start3A] : memref<104x128xi32, #tpu.memory_space<vmem>> -> memref<1x128xi32, #tpu.memory_space<vmem>>
        %dma_start3A_23 = tpu.memref_squeeze %dma_start3A_22 : memref<1x128xi32, #tpu.memory_space<vmem>> -> memref<128xi32, #tpu.memory_space<vmem>>
        %dma_start3A_24 = arith.constant 0 : i32
        %dma_start3A_25 = arith.constant 0 : i32
        %dma_start3A_26 = tpu.memref_slice %arg12[%dma_start3A_24, %dma_start3A_25] : memref<10240x128xf32, #tpu.memory_space<vmem_shared>> -> memref<10240x128xf32, #tpu.memory_space<vmem_shared>>
        tpu.enqueue_indirect_dma source(%arg11 : memref<128x128xf32, #tpu.memory_space<vmem>>) target(%dma_start3A_26 : memref<10240x128xf32, #tpu.memory_space<vmem_shared>>) offsets(%dma_start3A_23 : memref<128xi32, #tpu.memory_space<vmem>>) semaphore(%run_scoped3A : memref<!tpu.dma_semaphore, #tpu.memory_space<semaphore_mem>>) {add = true}
        %dma_wait3A = arith.constant 0 : i32
        %dma_wait3A_27 = tpu.memref_slice %arg10[%while3A_21, %dma_wait3A] : memref<104x128xi32, #tpu.memory_space<vmem>> -> memref<1x128xi32, #tpu.memory_space<vmem>>
        %dma_wait3A_28 = tpu.memref_squeeze %dma_wait3A_27 : memref<1x128xi32, #tpu.memory_space<vmem>> -> memref<128xi32, #tpu.memory_space<vmem>>
        %dma_wait3A_29 = arith.constant 0 : i32
        %dma_wait3A_30 = arith.constant 0 : i32
        %dma_wait3A_31 = tpu.memref_slice %arg12[%dma_wait3A_29, %dma_wait3A_30] : memref<10240x128xf32, #tpu.memory_space<vmem_shared>> -> memref<10240x128xf32, #tpu.memory_space<vmem_shared>>
        tpu.wait_indirect_dma semaphore(%run_scoped3A : memref<!tpu.dma_semaphore, #tpu.memory_space<semaphore_mem>>) src(%arg11 : memref<128x128xf32, #tpu.memory_space<vmem>>) dst(%dma_wait3A_31 : memref<10240x128xf32, #tpu.memory_space<vmem_shared>>)
        tpu.yield
      }) : () -> ()
    }
    %while3A_19 = arith.constant 1 : i32
    scf.for %while3A_21 = %while3A_17 to %while3A_13 step %while3A_19  : i32 {
      "tpu.region"() ({
        %run_scoped3A = tpu.sem_alloc : memref<!tpu.dma_semaphore, #tpu.memory_space<semaphore_mem>>
        %dma_start3A = arith.constant 0 : i32
        %dma_start3A_22 = tpu.memref_slice %arg9[%while3A_21, %dma_start3A] : memref<104x128xi32, #tpu.memory_space<vmem>> -> memref<1x128xi32, #tpu.memory_space<vmem>>
        %dma_start3A_23 = tpu.memref_squeeze %dma_start3A_22 : memref<1x128xi32, #tpu.memory_space<vmem>> -> memref<128xi32, #tpu.memory_space<vmem>>
        %dma_start3A_24 = arith.constant 0 : i32
        %dma_start3A_25 = arith.constant 0 : i32
        %dma_start3A_26 = tpu.memref_slice %arg2[%dma_start3A_24, %dma_start3A_25] : memref<10240x128xf32, #tpu.memory_space<hbm>> -> memref<10240x128xf32, #tpu.memory_space<hbm>>
        tpu.enqueue_indirect_dma source(%dma_start3A_26 : memref<10240x128xf32, #tpu.memory_space<hbm>>) target(%arg11 : memref<128x128xf32, #tpu.memory_space<vmem>>) offsets(%dma_start3A_23 : memref<128xi32, #tpu.memory_space<vmem>>) semaphore(%run_scoped3A : memref<!tpu.dma_semaphore, #tpu.memory_space<semaphore_mem>>)
        %dma_wait3A = arith.constant 0 : i32
        %dma_wait3A_27 = tpu.memref_slice %arg9[%while3A_21, %dma_wait3A] : memref<104x128xi32, #tpu.memory_space<vmem>> -> memref<1x128xi32, #tpu.memory_space<vmem>>
        %dma_wait3A_28 = tpu.memref_squeeze %dma_wait3A_27 : memref<1x128xi32, #tpu.memory_space<vmem>> -> memref<128xi32, #tpu.memory_space<vmem>>
        %dma_wait3A_29 = arith.constant 0 : i32
        %dma_wait3A_30 = arith.constant 0 : i32
        %dma_wait3A_31 = tpu.memref_slice %arg2[%dma_wait3A_29, %dma_wait3A_30] : memref<10240x128xf32, #tpu.memory_space<hbm>> -> memref<10240x128xf32, #tpu.memory_space<hbm>>
        tpu.wait_indirect_dma semaphore(%run_scoped3A : memref<!tpu.dma_semaphore, #tpu.memory_space<semaphore_mem>>) src(%dma_wait3A_31 : memref<10240x128xf32, #tpu.memory_space<hbm>>) dst(%arg11 : memref<128x128xf32, #tpu.memory_space<vmem>>)
        tpu.yield
      }) : () -> ()
      "tpu.region"() ({
        %run_scoped3A = tpu.sem_alloc : memref<!tpu.dma_semaphore, #tpu.memory_space<semaphore_mem>>
        %dma_start3A = arith.constant 0 : i32
        %dma_start3A_22 = tpu.memref_slice %arg10[%while3A_21, %dma_start3A] : memref<104x128xi32, #tpu.memory_space<vmem>> -> memref<1x128xi32, #tpu.memory_space<vmem>>
        %dma_start3A_23 = tpu.memref_squeeze %dma_start3A_22 : memref<1x128xi32, #tpu.memory_space<vmem>> -> memref<128xi32, #tpu.memory_space<vmem>>
        %dma_start3A_24 = arith.constant 0 : i32
        %dma_start3A_25 = arith.constant 0 : i32
        %dma_start3A_26 = tpu.memref_slice %arg12[%dma_start3A_24, %dma_start3A_25] : memref<10240x128xf32, #tpu.memory_space<vmem_shared>> -> memref<10240x128xf32, #tpu.memory_space<vmem_shared>>
        tpu.enqueue_indirect_dma source(%arg11 : memref<128x128xf32, #tpu.memory_space<vmem>>) target(%dma_start3A_26 : memref<10240x128xf32, #tpu.memory_space<vmem_shared>>) offsets(%dma_start3A_23 : memref<128xi32, #tpu.memory_space<vmem>>) semaphore(%run_scoped3A : memref<!tpu.dma_semaphore, #tpu.memory_space<semaphore_mem>>) {add = true}
        %dma_wait3A = arith.constant 0 : i32
        %dma_wait3A_27 = tpu.memref_slice %arg10[%while3A_21, %dma_wait3A] : memref<104x128xi32, #tpu.memory_space<vmem>> -> memref<1x128xi32, #tpu.memory_space<vmem>>
        %dma_wait3A_28 = tpu.memref_squeeze %dma_wait3A_27 : memref<1x128xi32, #tpu.memory_space<vmem>> -> memref<128xi32, #tpu.memory_space<vmem>>
        %dma_wait3A_29 = arith.constant 0 : i32
        %dma_wait3A_30 = arith.constant 0 : i32
        %dma_wait3A_31 = tpu.memref_slice %arg12[%dma_wait3A_29, %dma_wait3A_30] : memref<10240x128xf32, #tpu.memory_space<vmem_shared>> -> memref<10240x128xf32, #tpu.memory_space<vmem_shared>>
        tpu.wait_indirect_dma semaphore(%run_scoped3A : memref<!tpu.dma_semaphore, #tpu.memory_space<semaphore_mem>>) src(%arg11 : memref<128x128xf32, #tpu.memory_space<vmem>>) dst(%dma_wait3A_31 : memref<10240x128xf32, #tpu.memory_space<vmem_shared>>)
        tpu.yield
      }) : () -> ()
    }
    %barrier3A_20 = arith.constant 0 : index
    tpu.barrier barrier_id(%barrier3A_20)
    "tpu.region"() ({
      %run_scoped3A = tpu.sem_alloc : memref<!tpu.dma_semaphore, #tpu.memory_space<semaphore_mem>>
      %dma_start3A = arith.constant 0 : i32
      %dma_start3A_21 = tpu.memref_slice %arg8[%arg0, %mul3A_0, %dma_start3A] : memref<2x10240x128xf32, #tpu.memory_space<hbm>> -> memref<1x640x128xf32, #tpu.memory_space<hbm>>
      %dma_start3A_22 = tpu.memref_squeeze %dma_start3A_21 : memref<1x640x128xf32, #tpu.memory_space<hbm>> -> memref<640x128xf32, #tpu.memory_space<hbm>>
      %dma_start3A_23 = arith.constant 0 : i32
      %dma_start3A_24 = tpu.memref_slice %arg12[%mul3A_0, %dma_start3A_23] : memref<10240x128xf32, #tpu.memory_space<vmem_shared>> -> memref<640x128xf32, #tpu.memory_space<vmem_shared>>
      tpu.enqueue_dma source(%dma_start3A_24 : memref<640x128xf32, #tpu.memory_space<vmem_shared>>) target(%dma_start3A_22 : memref<640x128xf32, #tpu.memory_space<hbm>>) target_semaphore(%run_scoped3A : memref<!tpu.dma_semaphore, #tpu.memory_space<semaphore_mem>>)
      %dma_wait3A = arith.constant 0 : i32
      %dma_wait3A_25 = tpu.memref_slice %arg8[%arg0, %mul3A_0, %dma_wait3A] : memref<2x10240x128xf32, #tpu.memory_space<hbm>> -> memref<1x640x128xf32, #tpu.memory_space<hbm>>
      %dma_wait3A_26 = tpu.memref_squeeze %dma_wait3A_25 : memref<1x640x128xf32, #tpu.memory_space<hbm>> -> memref<640x128xf32, #tpu.memory_space<hbm>>
      %dma_wait3A_27 = arith.constant 0 : i32
      %dma_wait3A_28 = tpu.memref_slice %arg12[%mul3A_0, %dma_wait3A_27] : memref<10240x128xf32, #tpu.memory_space<vmem_shared>> -> memref<640x128xf32, #tpu.memory_space<vmem_shared>>
      tpu.wait_dma2 semaphore(%run_scoped3A : memref<!tpu.dma_semaphore, #tpu.memory_space<semaphore_mem>>) src(%dma_wait3A_28 : memref<640x128xf32, #tpu.memory_space<vmem_shared>>) dst(%dma_wait3A_26 : memref<640x128xf32, #tpu.memory_space<hbm>>)
      tpu.yield
    }) : () -> ()
    return
  }
}

module attributes {stable_mosaic.version = 14 : i64} {
  func.func @_dense1_body(%arg0: i32, %arg1: memref<2x1024x128xf32, #tpu.memory_space<vmem>>, %arg2: memref<2x1024x128xf32, #tpu.memory_space<vmem>>, %arg3: memref<1024x128xf32, #tpu.memory_space<vmem>>, %arg4: memref<128x128xf32, #tpu.memory_space<vmem>>, %arg5: memref<128x128xf32, #tpu.memory_space<vmem>>, %arg6: memref<1x128xf32, #tpu.memory_space<vmem>>, %arg7: memref<1024x128xf32, #tpu.memory_space<vmem>>) attributes {dimension_semantics = [#tpu.dimension_semantics<arbitrary>], iteration_bounds = array<i64: 10>, scalar_prefetch = 0 : i64, scratch_operands = 0 : i64, tpu.core_type = #tpu.core_type<tc>, window_params = [{transform_indices = @transform_0, window_bounds = array<i64: 2, 1024, 128>}, {transform_indices = @transform_1, window_bounds = array<i64: 2, 1024, 128>}, {transform_indices = @transform_2, window_bounds = array<i64: 1024, 128>}, {pipeline_mode = #tpu.pipeline_mode<synchronous>, transform_indices = @transform_3, window_bounds = array<i64: 128, 128>}, {pipeline_mode = #tpu.pipeline_mode<synchronous>, transform_indices = @transform_4, window_bounds = array<i64: 128, 128>}, {pipeline_mode = #tpu.pipeline_mode<synchronous>, transform_indices = @transform_5, window_bounds = array<i64: 1, 128>}, {transform_indices = @transform_6, window_bounds = array<i64: 1024, 128>}]} {
    %get3A = arith.constant 0 : index
    %get3A_0 = arith.constant 0 : index
    %get3A_1 = arith.constant 0 : index
    %get3A_2 = vector.load %arg1[%get3A, %get3A_0, %get3A_1] : memref<2x1024x128xf32, #tpu.memory_space<vmem>>, vector<2x1024x128xf32>
    %slice3A = vector.extract_strided_slice %get3A_2 {offsets = [0, 0, 0], sizes = [1, 1024, 128], strides = [1, 1, 1]} : vector<2x1024x128xf32> to vector<1x1024x128xf32>
    %squeeze3A = vector.shape_cast %slice3A : vector<1x1024x128xf32> to vector<1024x128xf32>
    %slice3A_3 = vector.extract_strided_slice %get3A_2 {offsets = [1, 0, 0], sizes = [1, 1024, 128], strides = [1, 1, 1]} : vector<2x1024x128xf32> to vector<1x1024x128xf32>
    %squeeze3A_4 = vector.shape_cast %slice3A_3 : vector<1x1024x128xf32> to vector<1024x128xf32>
    %add3A = arith.addf %squeeze3A, %squeeze3A_4 : vector<1024x128xf32>
    %get3A_5 = arith.constant 0 : index
    %get3A_6 = arith.constant 0 : index
    %get3A_7 = arith.constant 0 : index
    %get3A_8 = vector.load %arg2[%get3A_5, %get3A_6, %get3A_7] : memref<2x1024x128xf32, #tpu.memory_space<vmem>>, vector<2x1024x128xf32>
    %slice3A_9 = vector.extract_strided_slice %get3A_8 {offsets = [0, 0, 0], sizes = [1, 1024, 1], strides = [1, 1, 1]} : vector<2x1024x128xf32> to vector<1x1024x1xf32>
    %squeeze3A_10 = vector.shape_cast %slice3A_9 : vector<1x1024x1xf32> to vector<1024x1xf32>
    %slice3A_11 = vector.extract_strided_slice %get3A_8 {offsets = [1, 0, 0], sizes = [1, 1024, 1], strides = [1, 1, 1]} : vector<2x1024x128xf32> to vector<1x1024x1xf32>
    %squeeze3A_12 = vector.shape_cast %slice3A_11 : vector<1x1024x1xf32> to vector<1024x1xf32>
    %add3A_13 = arith.addf %squeeze3A_10, %squeeze3A_12 : vector<1024x1xf32>
    %max3A = arith.constant 1.000000e+00 : f32
    %max3A_14 = vector.broadcast %max3A : f32 to vector<1024x1xf32>
    %max3A_15 = arith.maximumf %add3A_13, %max3A_14 : vector<1024x1xf32>
    %div3A = vector.broadcast %max3A_15 : vector<1024x1xf32> to vector<1024x128xf32>
    %div3A_16 = arith.divf %add3A, %div3A : vector<1024x128xf32>
    %get3A_17 = arith.constant 0 : index
    %get3A_18 = arith.constant 0 : index
    %get3A_19 = vector.load %arg4[%get3A_17, %get3A_18] : memref<128x128xf32, #tpu.memory_space<vmem>>, vector<128x128xf32>
    %dot_general3A = arith.constant dense<0.000000e+00> : vector<1024x128xf32>
    %dot_general3A_20 = tpu.matmul %div3A_16, %get3A_19, %dot_general3A {dimension_numbers = #tpu.dot_dimension_numbers<[1], [0], [0], [1], [0, 0, 1, 1], [], []>, transpose_lhs_hint = false} : vector<1024x128xf32>, vector<128x128xf32>, vector<1024x128xf32> -> vector<1024x128xf32>
    %get3A_21 = arith.constant 0 : index
    %get3A_22 = arith.constant 0 : index
    %get3A_23 = vector.load %arg3[%get3A_21, %get3A_22] : memref<1024x128xf32, #tpu.memory_space<vmem>>, vector<1024x128xf32>
    %get3A_24 = arith.constant 0 : index
    %get3A_25 = arith.constant 0 : index
    %get3A_26 = vector.load %arg5[%get3A_24, %get3A_25] : memref<128x128xf32, #tpu.memory_space<vmem>>, vector<128x128xf32>
    %dot_general3A_27 = arith.constant dense<0.000000e+00> : vector<1024x128xf32>
    %dot_general3A_28 = tpu.matmul %get3A_23, %get3A_26, %dot_general3A_27 {dimension_numbers = #tpu.dot_dimension_numbers<[1], [0], [0], [1], [0, 0, 1, 1], [], []>, transpose_lhs_hint = false} : vector<1024x128xf32>, vector<128x128xf32>, vector<1024x128xf32> -> vector<1024x128xf32>
    %add3A_29 = arith.addf %dot_general3A_20, %dot_general3A_28 : vector<1024x128xf32>
    %get3A_30 = arith.constant 0 : index
    %get3A_31 = arith.constant 0 : index
    %get3A_32 = vector.load %arg6[%get3A_30, %get3A_31] : memref<1x128xf32, #tpu.memory_space<vmem>>, vector<1x128xf32>
    %add3A_33 = vector.broadcast %get3A_32 : vector<1x128xf32> to vector<1024x128xf32>
    %add3A_34 = arith.addf %add3A_29, %add3A_33 : vector<1024x128xf32>
    %max3A_35 = arith.constant 0.000000e+00 : f32
    %max3A_36 = vector.broadcast %max3A_35 : f32 to vector<1024x128xf32>
    %max3A_37 = arith.maximumf %add3A_34, %max3A_36 : vector<1024x128xf32>
    %swap3A = arith.constant 0 : index
    %swap3A_38 = arith.constant 0 : index
    %swap3A_39 = vector.load %arg7[%swap3A, %swap3A_38] : memref<1024x128xf32, #tpu.memory_space<vmem>>, vector<1024x128xf32>
    tpu.vector_store %arg7[%swap3A, %swap3A_38], %max3A_37 {strides = array<i32>} : memref<1024x128xf32, #tpu.memory_space<vmem>>, vector<1024x128xf32>,
    return
  }
  func.func @transform_0(%arg0: i32) -> (i32, i32, i32) {
    %c0_i32 = arith.constant 0 : i32
    %c0_i32_0 = arith.constant 0 : i32
    %c0_i32_1 = arith.constant 0 : i32
    return %c0_i32, %arg0, %c0_i32_0 : i32, i32, i32
  }
  func.func @transform_1(%arg0: i32) -> (i32, i32, i32) {
    %c0_i32 = arith.constant 0 : i32
    %c0_i32_0 = arith.constant 0 : i32
    %c0_i32_1 = arith.constant 0 : i32
    return %c0_i32, %arg0, %c0_i32_0 : i32, i32, i32
  }
  func.func @transform_2(%arg0: i32) -> (i32, i32) {
    %c0_i32 = arith.constant 0 : i32
    %c0_i32_0 = arith.constant 0 : i32
    return %arg0, %c0_i32 : i32, i32
  }
  func.func @transform_3(%arg0: i32) -> (i32, i32) {
    %c0_i32 = arith.constant 0 : i32
    %c0_i32_0 = arith.constant 0 : i32
    %c0_i32_1 = arith.constant 0 : i32
    return %c0_i32, %c0_i32_0 : i32, i32
  }
  func.func @transform_4(%arg0: i32) -> (i32, i32) {
    %c0_i32 = arith.constant 0 : i32
    %c0_i32_0 = arith.constant 0 : i32
    %c0_i32_1 = arith.constant 0 : i32
    return %c0_i32, %c0_i32_0 : i32, i32
  }
  func.func @transform_5(%arg0: i32) -> (i32, i32) {
    %c0_i32 = arith.constant 0 : i32
    %c0_i32_0 = arith.constant 0 : i32
    %c0_i32_1 = arith.constant 0 : i32
    return %c0_i32, %c0_i32_0 : i32, i32
  }
  func.func @transform_6(%arg0: i32) -> (i32, i32) {
    %c0_i32 = arith.constant 0 : i32
    %c0_i32_0 = arith.constant 0 : i32
    return %arg0, %c0_i32 : i32, i32
  }
}

module attributes {stable_mosaic.version = 14 : i64} {
  func.func @_dense2_body(%arg0: i32, %arg1: memref<2x1024x128xf32, #tpu.memory_space<vmem>>, %arg2: memref<2x1024x128xf32, #tpu.memory_space<vmem>>, %arg3: memref<1024x128xf32, #tpu.memory_space<vmem>>, %arg4: memref<128x128xf32, #tpu.memory_space<vmem>>, %arg5: memref<128x128xf32, #tpu.memory_space<vmem>>, %arg6: memref<1x128xf32, #tpu.memory_space<vmem>>, %arg7: memref<128x128xf32, #tpu.memory_space<vmem>>, %arg8: memref<1x128xf32, #tpu.memory_space<vmem>>, %arg9: memref<128x40xf32, #tpu.memory_space<vmem>>, %arg10: memref<1x40xf32, #tpu.memory_space<vmem>>, %arg11: memref<1024x40xf32, #tpu.memory_space<vmem>>) attributes {dimension_semantics = [#tpu.dimension_semantics<arbitrary>], iteration_bounds = array<i64: 10>, scalar_prefetch = 0 : i64, scratch_operands = 0 : i64, tpu.core_type = #tpu.core_type<tc>, window_params = [{transform_indices = @transform_0, window_bounds = array<i64: 2, 1024, 128>}, {transform_indices = @transform_1, window_bounds = array<i64: 2, 1024, 128>}, {transform_indices = @transform_2, window_bounds = array<i64: 1024, 128>}, {pipeline_mode = #tpu.pipeline_mode<synchronous>, transform_indices = @transform_3, window_bounds = array<i64: 128, 128>}, {pipeline_mode = #tpu.pipeline_mode<synchronous>, transform_indices = @transform_4, window_bounds = array<i64: 128, 128>}, {pipeline_mode = #tpu.pipeline_mode<synchronous>, transform_indices = @transform_5, window_bounds = array<i64: 1, 128>}, {pipeline_mode = #tpu.pipeline_mode<synchronous>, transform_indices = @transform_6, window_bounds = array<i64: 128, 128>}, {pipeline_mode = #tpu.pipeline_mode<synchronous>, transform_indices = @transform_7, window_bounds = array<i64: 1, 128>}, {pipeline_mode = #tpu.pipeline_mode<synchronous>, transform_indices = @transform_8, window_bounds = array<i64: 128, 40>}, {pipeline_mode = #tpu.pipeline_mode<synchronous>, transform_indices = @transform_9, window_bounds = array<i64: 1, 40>}, {transform_indices = @transform_10, window_bounds = array<i64: 1024, 40>}]} {
    %get3A = arith.constant 0 : index
    %get3A_0 = arith.constant 0 : index
    %get3A_1 = arith.constant 0 : index
    %get3A_2 = vector.load %arg1[%get3A, %get3A_0, %get3A_1] : memref<2x1024x128xf32, #tpu.memory_space<vmem>>, vector<2x1024x128xf32>
    %slice3A = vector.extract_strided_slice %get3A_2 {offsets = [0, 0, 0], sizes = [1, 1024, 128], strides = [1, 1, 1]} : vector<2x1024x128xf32> to vector<1x1024x128xf32>
    %squeeze3A = vector.shape_cast %slice3A : vector<1x1024x128xf32> to vector<1024x128xf32>
    %slice3A_3 = vector.extract_strided_slice %get3A_2 {offsets = [1, 0, 0], sizes = [1, 1024, 128], strides = [1, 1, 1]} : vector<2x1024x128xf32> to vector<1x1024x128xf32>
    %squeeze3A_4 = vector.shape_cast %slice3A_3 : vector<1x1024x128xf32> to vector<1024x128xf32>
    %add3A = arith.addf %squeeze3A, %squeeze3A_4 : vector<1024x128xf32>
    %get3A_5 = arith.constant 0 : index
    %get3A_6 = arith.constant 0 : index
    %get3A_7 = arith.constant 0 : index
    %get3A_8 = vector.load %arg2[%get3A_5, %get3A_6, %get3A_7] : memref<2x1024x128xf32, #tpu.memory_space<vmem>>, vector<2x1024x128xf32>
    %slice3A_9 = vector.extract_strided_slice %get3A_8 {offsets = [0, 0, 0], sizes = [1, 1024, 1], strides = [1, 1, 1]} : vector<2x1024x128xf32> to vector<1x1024x1xf32>
    %squeeze3A_10 = vector.shape_cast %slice3A_9 : vector<1x1024x1xf32> to vector<1024x1xf32>
    %slice3A_11 = vector.extract_strided_slice %get3A_8 {offsets = [1, 0, 0], sizes = [1, 1024, 1], strides = [1, 1, 1]} : vector<2x1024x128xf32> to vector<1x1024x1xf32>
    %squeeze3A_12 = vector.shape_cast %slice3A_11 : vector<1x1024x1xf32> to vector<1024x1xf32>
    %add3A_13 = arith.addf %squeeze3A_10, %squeeze3A_12 : vector<1024x1xf32>
    %max3A = arith.constant 1.000000e+00 : f32
    %max3A_14 = vector.broadcast %max3A : f32 to vector<1024x1xf32>
    %max3A_15 = arith.maximumf %add3A_13, %max3A_14 : vector<1024x1xf32>
    %div3A = vector.broadcast %max3A_15 : vector<1024x1xf32> to vector<1024x128xf32>
    %div3A_16 = arith.divf %add3A, %div3A : vector<1024x128xf32>
    %get3A_17 = arith.constant 0 : index
    %get3A_18 = arith.constant 0 : index
    %get3A_19 = vector.load %arg4[%get3A_17, %get3A_18] : memref<128x128xf32, #tpu.memory_space<vmem>>, vector<128x128xf32>
    %dot_general3A = arith.constant dense<0.000000e+00> : vector<1024x128xf32>
    %dot_general3A_20 = tpu.matmul %div3A_16, %get3A_19, %dot_general3A {dimension_numbers = #tpu.dot_dimension_numbers<[1], [0], [0], [1], [0, 0, 1, 1], [], []>, transpose_lhs_hint = false} : vector<1024x128xf32>, vector<128x128xf32>, vector<1024x128xf32> -> vector<1024x128xf32>
    %get3A_21 = arith.constant 0 : index
    %get3A_22 = arith.constant 0 : index
    %get3A_23 = vector.load %arg3[%get3A_21, %get3A_22] : memref<1024x128xf32, #tpu.memory_space<vmem>>, vector<1024x128xf32>
    %get3A_24 = arith.constant 0 : index
    %get3A_25 = arith.constant 0 : index
    %get3A_26 = vector.load %arg5[%get3A_24, %get3A_25] : memref<128x128xf32, #tpu.memory_space<vmem>>, vector<128x128xf32>
    %dot_general3A_27 = arith.constant dense<0.000000e+00> : vector<1024x128xf32>
    %dot_general3A_28 = tpu.matmul %get3A_23, %get3A_26, %dot_general3A_27 {dimension_numbers = #tpu.dot_dimension_numbers<[1], [0], [0], [1], [0, 0, 1, 1], [], []>, transpose_lhs_hint = false} : vector<1024x128xf32>, vector<128x128xf32>, vector<1024x128xf32> -> vector<1024x128xf32>
    %add3A_29 = arith.addf %dot_general3A_20, %dot_general3A_28 : vector<1024x128xf32>
    %get3A_30 = arith.constant 0 : index
    %get3A_31 = arith.constant 0 : index
    %get3A_32 = vector.load %arg6[%get3A_30, %get3A_31] : memref<1x128xf32, #tpu.memory_space<vmem>>, vector<1x128xf32>
    %add3A_33 = vector.broadcast %get3A_32 : vector<1x128xf32> to vector<1024x128xf32>
    %add3A_34 = arith.addf %add3A_29, %add3A_33 : vector<1024x128xf32>
    %max3A_35 = arith.constant 0.000000e+00 : f32
    %max3A_36 = vector.broadcast %max3A_35 : f32 to vector<1024x128xf32>
    %max3A_37 = arith.maximumf %add3A_34, %max3A_36 : vector<1024x128xf32>
    %get3A_38 = arith.constant 0 : index
    %get3A_39 = arith.constant 0 : index
    %get3A_40 = vector.load %arg7[%get3A_38, %get3A_39] : memref<128x128xf32, #tpu.memory_space<vmem>>, vector<128x128xf32>
    %dot_general3A_41 = arith.constant dense<0.000000e+00> : vector<1024x128xf32>
    %dot_general3A_42 = tpu.matmul %max3A_37, %get3A_40, %dot_general3A_41 {dimension_numbers = #tpu.dot_dimension_numbers<[1], [0], [0], [1], [0, 0, 1, 1], [], []>, transpose_lhs_hint = false} : vector<1024x128xf32>, vector<128x128xf32>, vector<1024x128xf32> -> vector<1024x128xf32>
    %get3A_43 = arith.constant 0 : index
    %get3A_44 = arith.constant 0 : index
    %get3A_45 = vector.load %arg8[%get3A_43, %get3A_44] : memref<1x128xf32, #tpu.memory_space<vmem>>, vector<1x128xf32>
    %add3A_46 = vector.broadcast %get3A_45 : vector<1x128xf32> to vector<1024x128xf32>
    %add3A_47 = arith.addf %dot_general3A_42, %add3A_46 : vector<1024x128xf32>
    %get3A_48 = arith.constant 0 : index
    %get3A_49 = arith.constant 0 : index
    %get3A_50 = vector.load %arg9[%get3A_48, %get3A_49] : memref<128x40xf32, #tpu.memory_space<vmem>>, vector<128x40xf32>
    %dot_general3A_51 = arith.constant dense<0.000000e+00> : vector<1024x40xf32>
    %dot_general3A_52 = tpu.matmul %add3A_47, %get3A_50, %dot_general3A_51 {dimension_numbers = #tpu.dot_dimension_numbers<[1], [0], [0], [1], [0, 0, 1, 1], [], []>, transpose_lhs_hint = false} : vector<1024x128xf32>, vector<128x40xf32>, vector<1024x40xf32> -> vector<1024x40xf32>
    %get3A_53 = arith.constant 0 : index
    %get3A_54 = arith.constant 0 : index
    %get3A_55 = vector.load %arg10[%get3A_53, %get3A_54] : memref<1x40xf32, #tpu.memory_space<vmem>>, vector<1x40xf32>
    %add3A_56 = vector.broadcast %get3A_55 : vector<1x40xf32> to vector<1024x40xf32>
    %add3A_57 = arith.addf %dot_general3A_52, %add3A_56 : vector<1024x40xf32>
    %reduce_max3A = arith.constant dense<0xFF800000> : vector<1024xf32>
    %reduce_max3A_58 = vector.multi_reduction <maximumf>, %add3A_57, %reduce_max3A [1] : vector<1024x40xf32> to vector<1024xf32>
    %broadcast_in_dim3A = vector.shape_cast %reduce_max3A_58 : vector<1024xf32> to vector<1024x1xf32>
    %sub3A = vector.broadcast %broadcast_in_dim3A : vector<1024x1xf32> to vector<1024x40xf32>
    %sub3A_59 = arith.subf %add3A_57, %sub3A : vector<1024x40xf32>
    %exp3A = math.exp %sub3A_59 : vector<1024x40xf32>
    %sub3A_60 = vector.broadcast %broadcast_in_dim3A : vector<1024x1xf32> to vector<1024x40xf32>
    %sub3A_61 = arith.subf %add3A_57, %sub3A_60 : vector<1024x40xf32>
    %reduce_sum3A = arith.constant dense<0.000000e+00> : vector<1024xf32>
    %reduce_sum3A_62 = vector.multi_reduction <add>, %exp3A, %reduce_sum3A [1] : vector<1024x40xf32> to vector<1024xf32>
    %broadcast_in_dim3A_63 = vector.shape_cast %reduce_sum3A_62 : vector<1024xf32> to vector<1024x1xf32>
    %log3A = math.log %broadcast_in_dim3A_63 : vector<1024x1xf32>
    %sub3A_64 = vector.broadcast %log3A : vector<1024x1xf32> to vector<1024x40xf32>
    %sub3A_65 = arith.subf %sub3A_61, %sub3A_64 : vector<1024x40xf32>
    %swap3A = arith.constant 0 : index
    %swap3A_66 = arith.constant 0 : index
    %swap3A_67 = vector.load %arg11[%swap3A, %swap3A_66] : memref<1024x40xf32, #tpu.memory_space<vmem>>, vector<1024x40xf32>
    tpu.vector_store %arg11[%swap3A, %swap3A_66], %sub3A_65 {strides = array<i32>} : memref<1024x40xf32, #tpu.memory_space<vmem>>, vector<1024x40xf32>,
    return
  }
  func.func @transform_0(%arg0: i32) -> (i32, i32, i32) {
    %c0_i32 = arith.constant 0 : i32
    %c0_i32_0 = arith.constant 0 : i32
    %c0_i32_1 = arith.constant 0 : i32
    return %c0_i32, %arg0, %c0_i32_0 : i32, i32, i32
  }
  func.func @transform_1(%arg0: i32) -> (i32, i32, i32) {
    %c0_i32 = arith.constant 0 : i32
    %c0_i32_0 = arith.constant 0 : i32
    %c0_i32_1 = arith.constant 0 : i32
    return %c0_i32, %arg0, %c0_i32_0 : i32, i32, i32
  }
  func.func @transform_2(%arg0: i32) -> (i32, i32) {
    %c0_i32 = arith.constant 0 : i32
    %c0_i32_0 = arith.constant 0 : i32
    return %arg0, %c0_i32 : i32, i32
  }
  func.func @transform_3(%arg0: i32) -> (i32, i32) {
    %c0_i32 = arith.constant 0 : i32
    %c0_i32_0 = arith.constant 0 : i32
    %c0_i32_1 = arith.constant 0 : i32
    return %c0_i32, %c0_i32_0 : i32, i32
  }
  func.func @transform_4(%arg0: i32) -> (i32, i32) {
    %c0_i32 = arith.constant 0 : i32
    %c0_i32_0 = arith.constant 0 : i32
    %c0_i32_1 = arith.constant 0 : i32
    return %c0_i32, %c0_i32_0 : i32, i32
  }
  func.func @transform_5(%arg0: i32) -> (i32, i32) {
    %c0_i32 = arith.constant 0 : i32
    %c0_i32_0 = arith.constant 0 : i32
    %c0_i32_1 = arith.constant 0 : i32
    return %c0_i32, %c0_i32_0 : i32, i32
  }
  func.func @transform_6(%arg0: i32) -> (i32, i32) {
    %c0_i32 = arith.constant 0 : i32
    %c0_i32_0 = arith.constant 0 : i32
    %c0_i32_1 = arith.constant 0 : i32
    return %c0_i32, %c0_i32_0 : i32, i32
  }
  func.func @transform_7(%arg0: i32) -> (i32, i32) {
    %c0_i32 = arith.constant 0 : i32
    %c0_i32_0 = arith.constant 0 : i32
    %c0_i32_1 = arith.constant 0 : i32
    return %c0_i32, %c0_i32_0 : i32, i32
  }
  func.func @transform_8(%arg0: i32) -> (i32, i32) {
    %c0_i32 = arith.constant 0 : i32
    %c0_i32_0 = arith.constant 0 : i32
    %c0_i32_1 = arith.constant 0 : i32
    return %c0_i32, %c0_i32_0 : i32, i32
  }
  func.func @transform_9(%arg0: i32) -> (i32, i32) {
    %c0_i32 = arith.constant 0 : i32
    %c0_i32_0 = arith.constant 0 : i32
    %c0_i32_1 = arith.constant 0 : i32
    return %c0_i32, %c0_i32_0 : i32, i32
  }
  func.func @transform_10(%arg0: i32) -> (i32, i32) {
    %c0_i32 = arith.constant 0 : i32
    %c0_i32_0 = arith.constant 0 : i32
    return %arg0, %c0_i32 : i32, i32
  }
}

</mosaic_0001>

<sc_bundles>
// kernel: kernel.10.cloned.1.call-start
scs
__scs_entry_jumppad:
0x0: {  	(pc) =	sbr.rel $0x88, $3  }
0x1: {  	(tag) =	ssettag $0x0;
	lr =	simm.s32 $0x1  }
0x2: {  	[smem:$0x3F95] =	sst lr;
	_ =	strace $0xD0000000  }
0x3: {  	_ = 	snop  }
0x4: {  	_ = 	snop  }
0x5: {  	_ = 	snop  }
0x6: {  	_ = 	snop  }
0x7: {  	_ = 	snop  }
__scs_overlays_trampoline_lowered:
0x8: {  	[smem:$0x3FA4] =	sst s0  }
0x9: {  	[smem:$0x3FA5] =	sst s1  }
0xa: {  	[smem:$0x3FA6] =	sst s2  }
0xb: {  	[smem:$0x3FA7] =	sst s3  }
0xc: {  	[smem:$0x3FA8] =	sst s4  }
0xd: {  	[smem:$0x3FA9] =	sst s5  }
0xe: {  	[smem:$0x3FAA] =	sst s6  }
0xf: {  	[smem:$0x3FAB] =	sst s7  }
0x10: {  	[smem:$0x3FAC] =	sst s8  }
0x11: {  	[smem:$0x3FAD] =	sst s9;
	s0 =	simm.s32 @!p0 $0x0  }
0x12: {  	s1 =	sld [smem:$0x3F93];
	s0 =	simm.s32 @p0 $0x1  }
0x13: {  	[smem:$0x3FAE] =	sst s0;
	s0 =	simm.s32 @!p1 $0x0  }
0x14: {  	s2 =	sld [smem:$0x3F92];
	s0 =	simm.s32 @p1 $0x1  }
0x15: {  	[smem:$0x3FAF] =	sst s0;
	s0 =	simm.s32 @!p2 $0x0  }
0x16: {  	s3 =	sld [smem:$0x3FDB];
	s0 =	simm.s32 @p2 $0x1  }
0x17: {  	s4 =	simm.s32 $0x1BF5;
	[smem:$0x3FB1] =	sst s0  }
0x18: {  	s0 =	sld [smem:$0x3F94];
	_ =	swait.ge [sflag:s4], $0x0  }
0x19: {  	s7 =	sld [smem:$0x3F95]  }
0x1a: {  	s8 =	sadd.s32 $0xFFFFE003, lr  }
0x1b: {  	s9 =	sadd.s32 $0xFFFFFEF7, lr;
	s5 =	simm.s32 $0xFFFFFFFF;
	p2 =	slt.u32 s8, $0xFFFFF086  }
0x1c: {  	p1 =	slt.u32 s9, $0xF7A;
	s5 =	simm.s32 @!p2 $0x0  }
0x1d: {  	s5 =	simm.s32 @p1 $0x1;
	p0 =	seq.s32 s7, s2  }
0x1e: {  	s7 =	smul.u32 @!p0 $0xF7A, s2;
	p2 =	seq.s32 @!p0 s5, $0x0  }
0x1f: {  	s9 =	smul.u32 $0xF7A, s1;
	s8 =	simm.s32 @!p0 $0x1BF5;
	p2 =	por !p2, p0  }
0x20: {  	[sflag:s8] =	ssyncset.s32 @!p0 $0xFFFFF086;
	s6 =	sadd.s32 @!p0 s3, s7;
	s7 =	simm.s32 @!p0 $0x108  }
0x21: {  	s3 =	sadd.s32 s3, s9;
	s6 =	sadd.s32 @!p0 $0x88, s6;
	s7 =	simm.s32 @p2 $0x1082  }
0x22: {  	[simem:s7], [sflag:s8] =	dma.local @!p0 [hbm:s6], $0xF7A  }
0x23: {  	s9 =	sor.u32 $0xD0000000, s2;
	s6 =	simm.s32 $0x108;
	_ =	swait.ge @!p0 [sflag:s8], $0x0  }
0x24: {  	s3 =	sadd.s32 $0x88, s3;
	s6 =	simm.s32 @!p1 $0x1082;
	[sflag:s4] =	ssyncset.s32 $0xFFFFF086  }
0x25: {  	[simem:s6], [sflag:s4] =	dma.local [hbm:s3], $0xF7A  }
0x26: {  	[smem:$0x3F95] =	sst s1;
	(tag) =	ssettag s2;
	_ =	strace s9  }
0x27: {  	s1 =	sld [smem:$0x3FA5]  }
0x28: {  	s2 =	sld [smem:$0x3FA6]  }
0x29: {  	s4 =	sld [smem:$0x3FA8]  }
0x2a: {  	p0 =	seq.s32 s5, $0x0;
	s5 =	sld [smem:$0x3FA9]  }
0x2b: {  	s6 =	sld [smem:$0x3FAA]  }
0x2c: {  	s7 =	sld [smem:$0x3FAB]  }
0x2d: {  	s3 =	simm.s32 $0x108;
	s8 =	sld [smem:$0x3FAC]  }
0x2e: {  	s3 =	simm.s32 @!p0 $0x1082;
	s9 =	sld [smem:$0x3FAD]  }
0x2f: {  	lr =	sadd.s32 s0, s3;
	s0 =	sld [smem:$0x3FA4]  }
0x30: {  	s3 =	sld [smem:$0x3FA7]  }
0x31: {  	[smem:$0x3FB0] =	sst s10  }
0x32: {  	s10 =	sld [smem:$0x3FAE];
	_ =	sdelay $0x3  }
0x33: {  	p0 =	seq.s32 s10, $0x1;
	s10 =	sld [smem:$0x3FB0];
	_ =	sdelay $0x3  }
0x34: {  	[smem:$0x3FB0] =	sst s10  }
0x35: {  	s10 =	sld [smem:$0x3FAF];
	_ =	sdelay $0x3  }
0x36: {  	p1 =	seq.s32 s10, $0x1;
	s10 =	sld [smem:$0x3FB0];
	_ =	sdelay $0x3  }
0x37: {  	[smem:$0x3FB0] =	sst s10  }
0x38: {  	s10 =	sld [smem:$0x3FB1]  }
0x39: {  	_ = 	snop;
	(pc) =	sbr.ind lr, $3  }
0x3a: {  	_ = 	snop  }
0x3b: {  	_ = 	snop  }
0x3c: {  	p2 =	seq.s32 s10, $0x1;
	s10 =	sld [smem:$0x3FB0]  }
0x3d: {  	_ =	shalt  }
0x3e: {  	_ =	shalt  }
0x3f: {  	_ =	shalt  }
0x40: {  	_ =	shalt  }
0x41: {  	_ =	shalt  }
0x42: {  	_ =	shalt  }
0x43: {  	_ =	shalt  }
0x44: {  	_ =	shalt  }
0x45: {  	_ =	shalt  }
0x46: {  	_ =	shalt  }
0x47: {  	_ =	shalt  }
0x48: {  	_ =	shalt  }
0x49: {  	_ =	shalt  }
0x4a: {  	_ =	shalt  }
0x4b: {  	_ =	shalt  }
0x4c: {  	_ =	shalt  }
0x4d: {  	_ =	shalt  }
0x4e: {  	_ =	shalt  }
0x4f: {  	_ =	shalt  }
0x50: {  	_ =	shalt  }
0x51: {  	_ =	shalt  }
0x52: {  	_ =	shalt  }
0x53: {  	_ =	shalt  }
0x54: {  	_ =	shalt  }
0x55: {  	_ =	shalt  }
0x56: {  	_ =	shalt  }
0x57: {  	_ =	shalt  }
0x58: {  	_ =	shalt  }
0x59: {  	_ =	shalt  }
0x5a: {  	_ =	shalt  }
0x5b: {  	_ =	shalt  }
0x5c: {  	_ =	shalt  }
0x5d: {  	_ =	shalt  }
0x5e: {  	_ =	shalt  }
0x5f: {  	_ =	shalt  }
0x60: {  	_ =	shalt  }
0x61: {  	_ =	shalt  }
0x62: {  	_ =	shalt  }
0x63: {  	_ =	shalt  }
0x64: {  	_ =	shalt  }
0x65: {  	_ =	shalt  }
0x66: {  	_ =	shalt  }
0x67: {  	_ =	shalt  }
0x68: {  	_ =	shalt  }
0x69: {  	_ =	shalt  }
0x6a: {  	_ =	shalt  }
0x6b: {  	_ =	shalt  }
0x6c: {  	_ =	shalt  }
0x6d: {  	_ =	shalt  }
0x6e: {  	_ =	shalt  }
0x6f: {  	_ =	shalt  }
0x70: {  	_ =	shalt  }
0x71: {  	_ =	shalt  }
0x72: {  	_ =	shalt  }
0x73: {  	_ =	shalt  }
0x74: {  	_ =	shalt  }
0x75: {  	_ =	shalt  }
0x76: {  	_ =	shalt  }
0x77: {  	_ =	shalt  }
0x78: {  	_ =	shalt  }
0x79: {  	_ =	shalt  }
0x7a: {  	_ =	shalt  }
0x7b: {  	_ =	shalt  }
0x7c: {  	_ =	shalt  }
0x7d: {  	_ =	shalt  }
0x7e: {  	_ =	shalt  }
0x7f: {  	_ =	shalt  }
0x80: {  	_ =	shalt  }
0x81: {  	_ =	shalt  }
0x82: {  	_ =	shalt  }
0x83: {  	_ =	shalt  }
0x84: {  	_ =	shalt  }
0x85: {  	_ =	shalt  }
0x86: {  	_ =	shalt  }
0x87: {  	_ =	shalt  }
.Lfunc_end0:
.L_simem_size_0:
called_computation.1_lowered:
.L_overlay_start_0:
0x88: {  	s2 =	sld [smem:$0x3FD9]  }
0x89: {  	s3 =	sld [smem:$0x3FFE];
	_ =	sdelay $0x1  }
0x8a: {  	s1 =	srdreg.scid  }
0x8b: {  	s0 =	sand.u32 $0x1, s1  }
0x8c: {  	s16 =	sshll.u32 s0, $0xA;
	s2 =	sadd.s32 s3, s2  }
0x8d: {  	s2 =	sadd.s32 s2, s16  }
0x8e: {  	[smem:$0x3FBC] =	sst s2  }
0x8f: {  	_ = 	snop  }
0x90: {  	(tm) =	ssettm $0x1  }
0x91: {  	s17 =	sld [smem:$0x3FFB];
	_ =	sdelay $0x3  }
0x92: {  	_ =	strace s17  }
0x93: {  	s2 =	sld [smem:$0x3FFC];
	_ =	sdelay $0x3  }
0x94: {  	_ =	strace s2  }
0x95: {  	s2 =	sld [smem:$0x3FFD];
	_ =	sdelay $0x3  }
0x96: {  	_ =	strace s2  }
0x97: {  	_ =	strace $0x8FFFFFFF  }
0x98: {  	s18 =	sld [smem:$0x3FDB];
	_ =	sdelay $0x1  }
0x99: {  	s19 =	simm.s32 $_scs_section_size  }
0x9a: {  	s4 =	simm.s32 $_size__tile_overlayer_lowered;
	s5 =	simm.s32 $_tile_overlayer_lowered  }
0x9b: {  	s22 =	simm.s32 $0x1BFF;
	s21 =	sshll.u32 s5, $0x1;
	s2 =	sadd.s32 s19, s18  }
0x9c: {  	s6 =	simm.s32 $0x0;
	s20 =	sshll.u32 s4, $0x1;
	s4 =	sadd.s32 s21, s2  }
0x9d: {  	[timem:s6], [sflag:s22] =	dma.local [hbm:s4], s20  }
0x9e: {  	_ =	swait.ge [sflag:s22], s20  }
0x9f: {  	s3 =	ssub.s32 $0x0, s20;
	[sflag:s22] =	ssyncset.done $0x0  }
0xa0: {  	[sflag:s22] =	ssyncadd.s32 s3;
	_ =	sdelay $0x1  }
0xa1: {  	s23 =	simm.s32 $0x1B8B  }
0xa2: {  	_ =	swait.ge [sflag:s23], $0x1  }
0xa3: {  	[sflag:s23] =	ssyncset.done $0x0  }
0xa4: {  	s25 =	simm.s32 $0x1B8E;
	s24 =	sld [smem:$0x3FFE];
	[sflag:s23] =	ssyncadd.s32 $0xFFFFFFFF  }
0xa5: {  	s26 =	simm.s32 $execute0_lowered;
	[smem:$0x3FD2] =	sst s25  }
0xa6: {  	s4 =	sshll.u32 s26, $0x1;
	_ =	strace $0x80000046;
	[dreg:$0x1] =	wrdreg $0xFFFFFFFF  }
0xa7: {  	s28 =	simm.s32 $_size_execute0_lowered;
	s2 =	sadd.s32 s2, s4;
	[dreg:$0x0] =	wrdreg $0x0  }
0xa8: {  	s4 =	sshll.u32 s28, $0x1;
	[dreg:$0x2] =	wrdreg s2  }
0xa9: {  	[dreg:$0x3] =	wrdreg s4  }
0xaa: {  	[dreg:$0x4] =	wrdreg $0xC0  }
0xab: {  	_ =	task [dreg:s6], $0x5FFFF  }
0xac: {  	[dreg:$0x1] =	wrdreg $0xFFFFFFFF  }
0xad: {  	[dreg:$0x0] =	wrdreg $0x60  }
0xae: {  	[dreg:$0x2] =	wrdreg s24  }
0xaf: {  	[dreg:$0x3] =	wrdreg $0xA8000  }
0xb0: {  	[dreg:$0x4] =	wrdreg $0xA  }
0xb1: {  	_ =	task.clear_ibuf [dreg:s6], $0x5FFFF;
	_ =	strace $0x90000046  }
0xb2: {  	s29 =	simm.s32 $0xA;
	_ =	strace $0x80000048  }
0xb3: {  	_ =	swait.ge [sflag:s29], $0x1  }
0xb4: {  	[sflag:s29] =	ssyncadd.s32 $0xFFFFFFFF  }
0xb5: {  	_ =	strace $0x90000048  }
0xb6: {  	_ =	sfence  }
0xb7: {  	s30 =	sld [smem:$0x0];
	_ =	sdelay $0x2  }
0xb8: {  	s31 =	sshll.u32 s1, $0xD;
	s1 =	sshrl.u32 s1, $0x2  }
0xb9: {  	s3 =	sand.u32 $0x4000, s31;
	s1 =	sadd.s32 s1, s30  }
0xba: {  	s0 =	sor.u32 s3, s0;
	s1 =	sshll.u32 s1, $0x11  }
0xbb: {  	s0 =	sor.u32 s1, s0  }
0xbc: {  	s0 =	sadd.s32 $0x8F2B, s0  }
0xbd: {  	[sflag:s0] =	ssyncadd.remote.s32 $0x1  }
0xbe: {  	_ =	sfence.sel $0xFFFF  }
0xbf: {  	[dreg:$0x0] =	wrdreg $0xFFFFFFFF;
	(pc) =	sbr.abs _section_cstart, $3  }
0xc0: {  	[dreg:$0x1] =	wrdreg $0xFFFFFFFF  }
0xc1: {  	_ =	task.clear_ibuf [dreg:s6], $0x2FFFF;
	_ =	strace $0x9FFFFFFF  }
0xc2: {  	(tm) =	ssettm $0x7FFFFFFF  }
0xc3: {  	_ =	shalt  }
tec
execute0_lowered:
.L_overlay_start_1:
0x0: {  	(tag) =	ssettag $0x1  }
0x1: {  	s5 =	rddreg [dreg:$0x0]  }
0x2: {  	s2 =	rddreg [dreg:$0x1]  }
0x3: {  	s1 =	stileid.u32;
	s0 =	rddreg [dreg:$0x2]  }
0x4: {  	s4 =	srdreg.scid;
	s6 =	smul.u32 $0x680, s1  }
0x5: {  	s3 =	simm.s32 $0x0;
	s16 =	simm.s32 $0x6800;
	s7 =	smul.u32 $0x380, s1  }
0x6: {  	s17 =	simm.s32 $0x0;
	s8 =	smul.u32 $0x14000, s1;
	s13 =	sand.u32 $0x1, s4  }
0x7: {  	[smem:$0x7FF] =	sst s3;
	s4 =	sadd.s32 $0x17600, s5;
	s28 =	smul.u32 $0x50000, s1  }
0x8: {  	s31 =	sshll.u32 s1, $0x6;
	s9 =	smul.u32 $0x140000, s13;
	_ =	strace $0x80000047  }
0x9: {  	s26 =	ssub.s32 $0x2, s13;
	p0 =	sne.s32 s13, $0x0;
	s10 =	sadd.s32 s6, s5  }
0xa: {  	s11 =	sadd.s32 s7, s5;
	s24 =	sshrl.u32 s8, $0x3;
	s29 =	sshrl.u32 s26, $0x1  }
0xb: {  	s30 =	sshrl.u32 s28, $0x2;
	s25 =	sadd.s32 s8, s9;
	s6 =	sadd.s32 s24, s5  }
0xc: {  	s14 =	ssub.s32 s26, s29;
	s15 =	sadd.s32 s30, s2;
	s8 =	sadd.s32 $0x13E00, s11  }
0xd: {  	s9 =	sadd.s32 $0x9E00, s10;
	s10 =	sadd.s32 $0x3600, s10;
	s7 =	sshrl.u32 s25, $0x3  }
0xe: {  	s13 =	sshrl.u32 s15, $0x3;
	s15 =	simm.s32 $0x80;
	s12 =	sadd.s32 s7, s5  }
0xf: {  	s5 =	sadd.s32 $0x3F600, s6;
	s6 =	sor.u32 $0x1C01, s31;
	s7 =	sadd.s32 $0x10600, s11  }
0x10: {  	s11 =	sadd.s32 $0x67600, s12;
	s12 =	smax.u32 s14, $0x1;
	s14 =	simm.s32 $0x1  }
.LBB2_1:
0x11: {  	[spmem:s13], [sflag:s6] =	dma.local [hbm:s5], $0x2800  }
0x12: {  	_ =	swait.ge [sflag:s14], $0x2800  }
0x13: {  	[sflag:s14] =	ssyncset.done $0x0  }
0x14: {  	s18 =	simm.s32 @p0 $0x0;
	s19 =	simm.s32 @p0 $0x1;
	[sflag:s14] =	ssyncadd.s32 $0xFFFFD800  }
0x15: {  	[tilespmem:s18], [sflag:$0x1] =	stream.linear.gather @p0 [hbm4b:s7+s18], $0x1B00, $0x38;
	[tilespmem:$0x1E800] =	vst v63  }
0x16: {  	_ =	swait.ge @p0 [sflag:s19], $0x1B00  }
0x17: {  	[sflag:s19] =	ssyncset.done @p0 $0x0  }
0x18: {  	s20 =	simm.s32 @p0 $0x3400;
	[sflag:s19] =	ssyncadd.s32 @p0 $0xFFFFE500  }
0x19: {  	[tilespmem:s20], [sflag:$0x1] =	stream.linear.gather @p0 [hbm4b:s8+s18], $0x1B00, $0x38;
	[tilespmem:$0x1E800] =	vst v63  }
0x1a: {  	_ =	swait.ge @p0 [sflag:s19], $0x1B00  }
0x1b: {  	[sflag:s19] =	ssyncset.done @p0 $0x0  }
0x1c: {  	s18 =	simm.s32 @!p0 $0x0;
	[sflag:s19] =	ssyncadd.s32 @p0 $0xFFFFE500;
	s19 =	simm.s32 @!p0 $0x1  }
0x1d: {  	[tilespmem:s18], [sflag:$0x1] =	stream.linear.gather @!p0 [hbm4b:s9+s18], $0x3400, $0x38;
	[tilespmem:$0x1E800] =	vst v63  }
0x1e: {  	_ =	swait.ge @!p0 [sflag:s19], $0x3400  }
0x1f: {  	[sflag:s19] =	ssyncset.done @!p0 $0x0  }
0x20: {  	s20 =	simm.s32 @!p0 $0x3400;
	[sflag:s19] =	ssyncadd.s32 @!p0 $0xFFFFCC00  }
0x21: {  	[tilespmem:s20], [sflag:$0x1] =	stream.linear.gather @!p0 [hbm4b:s10+s18], $0x3400, $0x38;
	[tilespmem:$0x1E800] =	vst v63  }
0x22: {  	_ =	swait.ge @!p0 [sflag:s19], $0x3400  }
0x23: {  	[sflag:s19] =	ssyncset.done @!p0 $0x0  }
0x24: {  	[sflag:s19] =	ssyncadd.s32 @!p0 $0xFFFFCC00;
	s19 =	simm.s32 @!p0 $0x68  }
0x25: {  	[bflag:$0x0] =	sbarrier.arrive $0xFFFF;
	s19 =	simm.s32 @p0 $0x36  }
0x26: {  	[tilespmem:s16], [sflag:$0x1] =	stream.indirect.gather [hbm4b:s4+s15], $0x80, s3, s15, $0xb8;
	[tilespmem:$0x1E800] =	vst v63  }
0x27: {  	p1 =	sne.s32 s19, $0x1;
	_ =	swait.ge [sflag:s14], $0x4000  }
.Ltmp0:
0x28: {  	[sflag:s14] =	ssyncset.done $0x0;
	(pc) =	sbr.rel @!p1 .LBB2_3-.Ltmp0, $4  }
0x29: {  	s18 =	simm.s32 $0x3400;
	[sflag:s14] =	ssyncadd.s32 $0xFFFFC000  }
0x2a: {  	[spmem:s2] =	stream.indirect.scatter.add.f32 [tilespmem:s16], [sflag:$0x1], $0x80, s18, s15, $0xb8;
	[tilespmem:$0x1E800] =	vst v63  }
0x2b: {  	_ =	swait.ge [sflag:s14], $0x4000  }
0x2c: {  	s20 =	simm.s32 $0x0;
	s19 =	sadd.s32 $0xFFFFFFFF, s19;
	[sflag:s14] =	ssyncset.done $0x0  }
.LBB2_2:
0x2d: {  	[sflag:s14] =	ssyncadd.s32 $0xFFFFC000;
	s20 =	sadd.s32 $0x80, s20;
	s18 =	sadd.s32 $0x80, s18  }
0x2e: {  	[tilespmem:s16], [sflag:$0x1] =	stream.indirect.gather [hbm4b:s4+s15], $0x80, s20, s15, $0xb8;
	[tilespmem:$0x1E800] =	vst v63  }
0x2f: {  	p1 =	sne.s32 s19, $0x1;
	s19 =	sadd.s32 $0xFFFFFFFF, s19;
	_ =	swait.ge [sflag:s14], $0x4000  }
.Ltmp1:
0x30: {  	[sflag:s14] =	ssyncset.done $0x0;
	(pc) =	sbr.rel @p1 .LBB2_2-.Ltmp1, $4  }
0x31: {  	[sflag:s14] =	ssyncadd.s32 $0xFFFFC000  }
0x32: {  	[spmem:s2] =	stream.indirect.scatter.add.f32 [tilespmem:s16], [sflag:$0x1], $0x80, s18, s15, $0xb8;
	[tilespmem:$0x1E800] =	vst v63  }
0x33: {  	_ =	swait.ge [sflag:s14], $0x4000  }
0x34: {  	[sflag:s14] =	ssyncset.done $0x0  }
.LBB2_3:
0x35: {  	s17 =	sadd.s32 $0x1, s17  }
0x36: {  	[sflag:s14] =	ssyncadd.s32 $0xFFFFC000;
	p1 =	sne.s32 s17, s12  }
.Ltmp2:
0x37: {  	[bflag:$0x0] =	sbarrier.arrive $0xFFFF;
	(pc) =	sbr.rel @p1 .LBB2_1-.Ltmp2, $4  }
0x38: {  	[hbm:s11], [sflag:s6] =	dma.local [spmem:s13], $0x2800  }
0x39: {  	_ =	swait.ge [sflag:s14], $0x2800  }
0x3a: {  	[sflag:s14] =	ssyncset.done $0x0  }
0x3b: {  	[sflag:s14] =	ssyncadd.s32 $0xFFFFD800  }
0x3c: {  	_ =	sfence.sel $0x180000  }
0x3d: {  	[bflag:$0x0] =	sbarrier.arrive $0xFFFF  }
0x3e: {  	p0 =	sne.s32 s1, $0x0;
	_ =	strace $0x90000047  }
0x3f: {  	s0 =	sadd.s32 @!p0 $0x100000, s0;
	[bflag:$0x2] =	sbarrier.arrive $0xFFFF  }
0x40: {  	[sflag:s0] =	ssyncadd.tile.s32 @!p0 $0x1;
	_ =	shalt  }
.Lfunc_end2:
_tile_overlayer_lowered:
.L_overlay_start_2:
0x41: {  	(tag) =	ssettag $0x2  }
0x42: {  	s0 =	rddreg [dreg:$0x0];
	s2 =	stileid.u32  }
0x43: {  	s1 =	rddreg [dreg:$0x1];
	p0 =	sne.s32 s2, $0x0  }
0x44: {  	s3 =	rddreg [dreg:$0x2];
	[bflag:$0x3] =	sbarrier.arrive $0xFFFF;
	s2 =	simm.s32 @!p0 $0x1C01  }
0x45: {  	[timem:s3], [sflag:s2] =	dma.local @!p0 [hbm:s0], s1  }
0x46: {  	s0 =	simm.s32 @!p0 $0x1  }
0x47: {  	_ =	swait.ge @!p0 [sflag:s0], s1  }
0x48: {  	s1 =	ssub.s32 @!p0 $0x0, s1;
	[sflag:s0] =	ssyncset.done @!p0 $0x0  }
0x49: {  	[sflag:s0] =	ssyncadd.s32 @!p0 s1  }
0x4a: {  	[bflag:$0x3] =	sbarrier.arrive $0xFFFF  }
0x4b: {  	_ =	shalt  }

// kernel: kernel.13.cloned.1.call-start
scs
__scs_entry_jumppad:
0x0: {  	(pc) =	sbr.rel $0x88, $3  }
0x1: {  	(tag) =	ssettag $0x0;
	lr =	simm.s32 $0x1  }
0x2: {  	[smem:$0x3F95] =	sst lr;
	_ =	strace $0xD0000000  }
0x3: {  	_ = 	snop  }
0x4: {  	_ = 	snop  }
0x5: {  	_ = 	snop  }
0x6: {  	_ = 	snop  }
0x7: {  	_ = 	snop  }
__scs_overlays_trampoline_lowered:
0x8: {  	[smem:$0x3FA4] =	sst s0  }
0x9: {  	[smem:$0x3FA5] =	sst s1  }
0xa: {  	[smem:$0x3FA6] =	sst s2  }
0xb: {  	[smem:$0x3FA7] =	sst s3  }
0xc: {  	[smem:$0x3FA8] =	sst s4  }
0xd: {  	[smem:$0x3FA9] =	sst s5  }
0xe: {  	[smem:$0x3FAA] =	sst s6  }
0xf: {  	[smem:$0x3FAB] =	sst s7  }
0x10: {  	[smem:$0x3FAC] =	sst s8  }
0x11: {  	[smem:$0x3FAD] =	sst s9;
	s0 =	simm.s32 @!p0 $0x0  }
0x12: {  	s1 =	sld [smem:$0x3F93];
	s0 =	simm.s32 @p0 $0x1  }
0x13: {  	[smem:$0x3FAE] =	sst s0;
	s0 =	simm.s32 @!p1 $0x0  }
0x14: {  	s2 =	sld [smem:$0x3F92];
	s0 =	simm.s32 @p1 $0x1  }
0x15: {  	[smem:$0x3FAF] =	sst s0;
	s0 =	simm.s32 @!p2 $0x0  }
0x16: {  	s3 =	sld [smem:$0x3FDB];
	s0 =	simm.s32 @p2 $0x1  }
0x17: {  	s4 =	simm.s32 $0x1BF5;
	[smem:$0x3FB1] =	sst s0  }
0x18: {  	s0 =	sld [smem:$0x3F94];
	_ =	swait.ge [sflag:s4], $0x0  }
0x19: {  	s7 =	sld [smem:$0x3F95]  }
0x1a: {  	s8 =	sadd.s32 $0xFFFFE003, lr  }
0x1b: {  	s9 =	sadd.s32 $0xFFFFFEF7, lr;
	s5 =	simm.s32 $0xFFFFFFFF;
	p2 =	slt.u32 s8, $0xFFFFF086  }
0x1c: {  	p1 =	slt.u32 s9, $0xF7A;
	s5 =	simm.s32 @!p2 $0x0  }
0x1d: {  	s5 =	simm.s32 @p1 $0x1;
	p0 =	seq.s32 s7, s2  }
0x1e: {  	s7 =	smul.u32 @!p0 $0xF7A, s2;
	p2 =	seq.s32 @!p0 s5, $0x0  }
0x1f: {  	s9 =	smul.u32 $0xF7A, s1;
	s8 =	simm.s32 @!p0 $0x1BF5;
	p2 =	por !p2, p0  }
0x20: {  	[sflag:s8] =	ssyncset.s32 @!p0 $0xFFFFF086;
	s6 =	sadd.s32 @!p0 s3, s7;
	s7 =	simm.s32 @!p0 $0x108  }
0x21: {  	s3 =	sadd.s32 s3, s9;
	s6 =	sadd.s32 @!p0 $0x88, s6;
	s7 =	simm.s32 @p2 $0x1082  }
0x22: {  	[simem:s7], [sflag:s8] =	dma.local @!p0 [hbm:s6], $0xF7A  }
0x23: {  	s9 =	sor.u32 $0xD0000000, s2;
	s6 =	simm.s32 $0x108;
	_ =	swait.ge @!p0 [sflag:s8], $0x0  }
0x24: {  	s3 =	sadd.s32 $0x88, s3;
	s6 =	simm.s32 @!p1 $0x1082;
	[sflag:s4] =	ssyncset.s32 $0xFFFFF086  }
0x25: {  	[simem:s6], [sflag:s4] =	dma.local [hbm:s3], $0xF7A  }
0x26: {  	[smem:$0x3F95] =	sst s1;
	(tag) =	ssettag s2;
	_ =	strace s9  }
0x27: {  	s1 =	sld [smem:$0x3FA5]  }
0x28: {  	s2 =	sld [smem:$0x3FA6]  }
0x29: {  	s4 =	sld [smem:$0x3FA8]  }
0x2a: {  	p0 =	seq.s32 s5, $0x0;
	s5 =	sld [smem:$0x3FA9]  }
0x2b: {  	s6 =	sld [smem:$0x3FAA]  }
0x2c: {  	s7 =	sld [smem:$0x3FAB]  }
0x2d: {  	s3 =	simm.s32 $0x108;
	s8 =	sld [smem:$0x3FAC]  }
0x2e: {  	s3 =	simm.s32 @!p0 $0x1082;
	s9 =	sld [smem:$0x3FAD]  }
0x2f: {  	lr =	sadd.s32 s0, s3;
	s0 =	sld [smem:$0x3FA4]  }
0x30: {  	s3 =	sld [smem:$0x3FA7]  }
0x31: {  	[smem:$0x3FB0] =	sst s10  }
0x32: {  	s10 =	sld [smem:$0x3FAE];
	_ =	sdelay $0x3  }
0x33: {  	p0 =	seq.s32 s10, $0x1;
	s10 =	sld [smem:$0x3FB0];
	_ =	sdelay $0x3  }
0x34: {  	[smem:$0x3FB0] =	sst s10  }
0x35: {  	s10 =	sld [smem:$0x3FAF];
	_ =	sdelay $0x3  }
0x36: {  	p1 =	seq.s32 s10, $0x1;
	s10 =	sld [smem:$0x3FB0];
	_ =	sdelay $0x3  }
0x37: {  	[smem:$0x3FB0] =	sst s10  }
0x38: {  	s10 =	sld [smem:$0x3FB1]  }
0x39: {  	_ = 	snop;
	(pc) =	sbr.ind lr, $3  }
0x3a: {  	_ = 	snop  }
0x3b: {  	_ = 	snop  }
0x3c: {  	p2 =	seq.s32 s10, $0x1;
	s10 =	sld [smem:$0x3FB0]  }
0x3d: {  	_ =	shalt  }
0x3e: {  	_ =	shalt  }
0x3f: {  	_ =	shalt  }
0x40: {  	_ =	shalt  }
0x41: {  	_ =	shalt  }
0x42: {  	_ =	shalt  }
0x43: {  	_ =	shalt  }
0x44: {  	_ =	shalt  }
0x45: {  	_ =	shalt  }
0x46: {  	_ =	shalt  }
0x47: {  	_ =	shalt  }
0x48: {  	_ =	shalt  }
0x49: {  	_ =	shalt  }
0x4a: {  	_ =	shalt  }
0x4b: {  	_ =	shalt  }
0x4c: {  	_ =	shalt  }
0x4d: {  	_ =	shalt  }
0x4e: {  	_ =	shalt  }
0x4f: {  	_ =	shalt  }
0x50: {  	_ =	shalt  }
0x51: {  	_ =	shalt  }
0x52: {  	_ =	shalt  }
0x53: {  	_ =	shalt  }
0x54: {  	_ =	shalt  }
0x55: {  	_ =	shalt  }
0x56: {  	_ =	shalt  }
0x57: {  	_ =	shalt  }
0x58: {  	_ =	shalt  }
0x59: {  	_ =	shalt  }
0x5a: {  	_ =	shalt  }
0x5b: {  	_ =	shalt  }
0x5c: {  	_ =	shalt  }
0x5d: {  	_ =	shalt  }
0x5e: {  	_ =	shalt  }
0x5f: {  	_ =	shalt  }
0x60: {  	_ =	shalt  }
0x61: {  	_ =	shalt  }
0x62: {  	_ =	shalt  }
0x63: {  	_ =	shalt  }
0x64: {  	_ =	shalt  }
0x65: {  	_ =	shalt  }
0x66: {  	_ =	shalt  }
0x67: {  	_ =	shalt  }
0x68: {  	_ =	shalt  }
0x69: {  	_ =	shalt  }
0x6a: {  	_ =	shalt  }
0x6b: {  	_ =	shalt  }
0x6c: {  	_ =	shalt  }
0x6d: {  	_ =	shalt  }
0x6e: {  	_ =	shalt  }
0x6f: {  	_ =	shalt  }
0x70: {  	_ =	shalt  }
0x71: {  	_ =	shalt  }
0x72: {  	_ =	shalt  }
0x73: {  	_ =	shalt  }
0x74: {  	_ =	shalt  }
0x75: {  	_ =	shalt  }
0x76: {  	_ =	shalt  }
0x77: {  	_ =	shalt  }
0x78: {  	_ =	shalt  }
0x79: {  	_ =	shalt  }
0x7a: {  	_ =	shalt  }
0x7b: {  	_ =	shalt  }
0x7c: {  	_ =	shalt  }
0x7d: {  	_ =	shalt  }
0x7e: {  	_ =	shalt  }
0x7f: {  	_ =	shalt  }
0x80: {  	_ =	shalt  }
0x81: {  	_ =	shalt  }
0x82: {  	_ =	shalt  }
0x83: {  	_ =	shalt  }
0x84: {  	_ =	shalt  }
0x85: {  	_ =	shalt  }
0x86: {  	_ =	shalt  }
0x87: {  	_ =	shalt  }
.Lfunc_end0:
.L_simem_size_0:
called_computation.2_lowered:
.L_overlay_start_0:
0x88: {  	s2 =	sld [smem:$0x3FD9]  }
0x89: {  	s3 =	sld [smem:$0x3FFE];
	_ =	sdelay $0x1  }
0x8a: {  	s1 =	srdreg.scid  }
0x8b: {  	s0 =	sand.u32 $0x1, s1  }
0x8c: {  	s16 =	sshll.u32 s0, $0xA;
	s2 =	sadd.s32 s3, s2  }
0x8d: {  	s2 =	sadd.s32 s2, s16  }
0x8e: {  	[smem:$0x3FBC] =	sst s2  }
0x8f: {  	_ = 	snop  }
0x90: {  	(tm) =	ssettm $0x1  }
0x91: {  	s17 =	sld [smem:$0x3FFB];
	_ =	sdelay $0x3  }
0x92: {  	_ =	strace s17  }
0x93: {  	s2 =	sld [smem:$0x3FFC];
	_ =	sdelay $0x3  }
0x94: {  	_ =	strace s2  }
0x95: {  	s2 =	sld [smem:$0x3FFD];
	_ =	sdelay $0x3  }
0x96: {  	_ =	strace s2  }
0x97: {  	_ =	strace $0x8FFFFFFF  }
0x98: {  	s18 =	sld [smem:$0x3FDB];
	_ =	sdelay $0x1  }
0x99: {  	s19 =	simm.s32 $_scs_section_size  }
0x9a: {  	s4 =	simm.s32 $_size__tile_overlayer_lowered;
	s5 =	simm.s32 $_tile_overlayer_lowered  }
0x9b: {  	s22 =	simm.s32 $0x1BFF;
	s21 =	sshll.u32 s5, $0x1;
	s2 =	sadd.s32 s19, s18  }
0x9c: {  	s6 =	simm.s32 $0x0;
	s20 =	sshll.u32 s4, $0x1;
	s4 =	sadd.s32 s21, s2  }
0x9d: {  	[timem:s6], [sflag:s22] =	dma.local [hbm:s4], s20  }
0x9e: {  	_ =	swait.ge [sflag:s22], s20  }
0x9f: {  	s3 =	ssub.s32 $0x0, s20;
	[sflag:s22] =	ssyncset.done $0x0  }
0xa0: {  	[sflag:s22] =	ssyncadd.s32 s3;
	_ =	sdelay $0x1  }
0xa1: {  	s23 =	simm.s32 $0x1B8B  }
0xa2: {  	_ =	swait.ge [sflag:s23], $0x1  }
0xa3: {  	[sflag:s23] =	ssyncset.done $0x0  }
0xa4: {  	s25 =	simm.s32 $0x1B8E;
	s24 =	sld [smem:$0x3FFE];
	[sflag:s23] =	ssyncadd.s32 $0xFFFFFFFF  }
0xa5: {  	s26 =	simm.s32 $execute0_lowered;
	[smem:$0x3FD2] =	sst s25  }
0xa6: {  	s4 =	sshll.u32 s26, $0x1;
	_ =	strace $0x8000004C;
	[dreg:$0x1] =	wrdreg $0xFFFFFFFF  }
0xa7: {  	s28 =	simm.s32 $_size_execute0_lowered;
	s2 =	sadd.s32 s2, s4;
	[dreg:$0x0] =	wrdreg $0x0  }
0xa8: {  	s4 =	sshll.u32 s28, $0x1;
	[dreg:$0x2] =	wrdreg s2  }
0xa9: {  	[dreg:$0x3] =	wrdreg s4  }
0xaa: {  	[dreg:$0x4] =	wrdreg $0xC0  }
0xab: {  	_ =	task [dreg:s6], $0x5FFFF  }
0xac: {  	[dreg:$0x1] =	wrdreg $0xFFFFFFFF  }
0xad: {  	[dreg:$0x0] =	wrdreg $0x60  }
0xae: {  	[dreg:$0x2] =	wrdreg s24  }
0xaf: {  	[dreg:$0x3] =	wrdreg $0xA8000  }
0xb0: {  	[dreg:$0x4] =	wrdreg $0x9  }
0xb1: {  	_ =	task.clear_ibuf [dreg:s6], $0x5FFFF;
	_ =	strace $0x9000004C  }
0xb2: {  	s29 =	simm.s32 $0x9;
	_ =	strace $0x8000004E  }
0xb3: {  	_ =	swait.ge [sflag:s29], $0x1  }
0xb4: {  	[sflag:s29] =	ssyncadd.s32 $0xFFFFFFFF  }
0xb5: {  	_ =	strace $0x9000004E  }
0xb6: {  	_ =	sfence  }
0xb7: {  	s30 =	sld [smem:$0x0];
	_ =	sdelay $0x2  }
0xb8: {  	s31 =	sshll.u32 s1, $0xD;
	s1 =	sshrl.u32 s1, $0x2  }
0xb9: {  	s3 =	sand.u32 $0x4000, s31;
	s1 =	sadd.s32 s1, s30  }
0xba: {  	s0 =	sor.u32 s3, s0;
	s1 =	sshll.u32 s1, $0x11  }
0xbb: {  	s0 =	sor.u32 s1, s0  }
0xbc: {  	s0 =	sadd.s32 $0x8F2B, s0  }
0xbd: {  	[sflag:s0] =	ssyncadd.remote.s32 $0x1  }
0xbe: {  	_ =	sfence.sel $0xFFFF  }
0xbf: {  	[dreg:$0x0] =	wrdreg $0xFFFFFFFF;
	(pc) =	sbr.abs _section_cstart, $3  }
0xc0: {  	[dreg:$0x1] =	wrdreg $0xFFFFFFFF  }
0xc1: {  	_ =	task.clear_ibuf [dreg:s6], $0x2FFFF;
	_ =	strace $0x9FFFFFFF  }
0xc2: {  	(tm) =	ssettm $0x7FFFFFFF  }
0xc3: {  	_ =	shalt  }
tec
execute0_lowered:
.L_overlay_start_1:
0x0: {  	(tag) =	ssettag $0x1  }
0x1: {  	s5 =	rddreg [dreg:$0x0]  }
0x2: {  	s2 =	rddreg [dreg:$0x1]  }
0x3: {  	s1 =	stileid.u32;
	s0 =	rddreg [dreg:$0x2]  }
0x4: {  	s4 =	srdreg.scid;
	s6 =	smul.u32 $0x680, s1  }
0x5: {  	s3 =	simm.s32 $0x0;
	s16 =	simm.s32 $0x6800;
	s7 =	smul.u32 $0x380, s1  }
0x6: {  	s17 =	simm.s32 $0x0;
	s8 =	smul.u32 $0x14000, s1;
	s13 =	sand.u32 $0x1, s4  }
0x7: {  	[smem:$0x7FF] =	sst s3;
	s4 =	sadd.s32 $0x17600, s5;
	s28 =	smul.u32 $0x50000, s1  }
0x8: {  	s31 =	sshll.u32 s1, $0x6;
	s9 =	smul.u32 $0x140000, s13;
	_ =	strace $0x8000004D  }
0x9: {  	s26 =	ssub.s32 $0x2, s13;
	p0 =	sne.s32 s13, $0x0;
	s10 =	sadd.s32 s6, s5  }
0xa: {  	s11 =	sadd.s32 s7, s5;
	s24 =	sshrl.u32 s8, $0x3;
	s29 =	sshrl.u32 s26, $0x1  }
0xb: {  	s30 =	sshrl.u32 s28, $0x2;
	s25 =	sadd.s32 s8, s9;
	s6 =	sadd.s32 s24, s5  }
0xc: {  	s14 =	ssub.s32 s26, s29;
	s15 =	sadd.s32 s30, s2;
	s8 =	sadd.s32 $0x13E00, s11  }
0xd: {  	s9 =	sadd.s32 $0x9E00, s10;
	s10 =	sadd.s32 $0x3600, s10;
	s7 =	sshrl.u32 s25, $0x3  }
0xe: {  	s13 =	sshrl.u32 s15, $0x3;
	s15 =	simm.s32 $0x80;
	s12 =	sadd.s32 s7, s5  }
0xf: {  	s5 =	sadd.s32 $0x3F600, s6;
	s6 =	sor.u32 $0x1C01, s31;
	s7 =	sadd.s32 $0x10600, s11  }
0x10: {  	s11 =	sadd.s32 $0x67600, s12;
	s12 =	smax.u32 s14, $0x1;
	s14 =	simm.s32 $0x1  }
.LBB2_1:
0x11: {  	[spmem:s13], [sflag:s6] =	dma.local [hbm:s5], $0x2800  }
0x12: {  	_ =	swait.ge [sflag:s14], $0x2800  }
0x13: {  	[sflag:s14] =	ssyncset.done $0x0  }
0x14: {  	s18 =	simm.s32 @p0 $0x0;
	s19 =	simm.s32 @p0 $0x1;
	[sflag:s14] =	ssyncadd.s32 $0xFFFFD800  }
0x15: {  	[tilespmem:s18], [sflag:$0x1] =	stream.linear.gather @p0 [hbm4b:s7+s18], $0x1B00, $0x38;
	[tilespmem:$0x1E800] =	vst v63  }
0x16: {  	_ =	swait.ge @p0 [sflag:s19], $0x1B00  }
0x17: {  	[sflag:s19] =	ssyncset.done @p0 $0x0  }
0x18: {  	s20 =	simm.s32 @p0 $0x3400;
	[sflag:s19] =	ssyncadd.s32 @p0 $0xFFFFE500  }
0x19: {  	[tilespmem:s20], [sflag:$0x1] =	stream.linear.gather @p0 [hbm4b:s8+s18], $0x1B00, $0x38;
	[tilespmem:$0x1E800] =	vst v63  }
0x1a: {  	_ =	swait.ge @p0 [sflag:s19], $0x1B00  }
0x1b: {  	[sflag:s19] =	ssyncset.done @p0 $0x0  }
0x1c: {  	s18 =	simm.s32 @!p0 $0x0;
	[sflag:s19] =	ssyncadd.s32 @p0 $0xFFFFE500;
	s19 =	simm.s32 @!p0 $0x1  }
0x1d: {  	[tilespmem:s18], [sflag:$0x1] =	stream.linear.gather @!p0 [hbm4b:s9+s18], $0x3400, $0x38;
	[tilespmem:$0x1E800] =	vst v63  }
0x1e: {  	_ =	swait.ge @!p0 [sflag:s19], $0x3400  }
0x1f: {  	[sflag:s19] =	ssyncset.done @!p0 $0x0  }
0x20: {  	s20 =	simm.s32 @!p0 $0x3400;
	[sflag:s19] =	ssyncadd.s32 @!p0 $0xFFFFCC00  }
0x21: {  	[tilespmem:s20], [sflag:$0x1] =	stream.linear.gather @!p0 [hbm4b:s10+s18], $0x3400, $0x38;
	[tilespmem:$0x1E800] =	vst v63  }
0x22: {  	_ =	swait.ge @!p0 [sflag:s19], $0x3400  }
0x23: {  	[sflag:s19] =	ssyncset.done @!p0 $0x0  }
0x24: {  	[sflag:s19] =	ssyncadd.s32 @!p0 $0xFFFFCC00;
	s19 =	simm.s32 @!p0 $0x68  }
0x25: {  	[bflag:$0x0] =	sbarrier.arrive $0xFFFF;
	s19 =	simm.s32 @p0 $0x36  }
0x26: {  	[tilespmem:s16], [sflag:$0x1] =	stream.indirect.gather [hbm4b:s4+s15], $0x80, s3, s15, $0xb8;
	[tilespmem:$0x1E800] =	vst v63  }
0x27: {  	p1 =	sne.s32 s19, $0x1;
	_ =	swait.ge [sflag:s14], $0x4000  }
.Ltmp0:
0x28: {  	[sflag:s14] =	ssyncset.done $0x0;
	(pc) =	sbr.rel @!p1 .LBB2_3-.Ltmp0, $4  }
0x29: {  	s18 =	simm.s32 $0x3400;
	[sflag:s14] =	ssyncadd.s32 $0xFFFFC000  }
0x2a: {  	[spmem:s2] =	stream.indirect.scatter.add.f32 [tilespmem:s16], [sflag:$0x1], $0x80, s18, s15, $0xb8;
	[tilespmem:$0x1E800] =	vst v63  }
0x2b: {  	_ =	swait.ge [sflag:s14], $0x4000  }
0x2c: {  	s20 =	simm.s32 $0x0;
	s19 =	sadd.s32 $0xFFFFFFFF, s19;
	[sflag:s14] =	ssyncset.done $0x0  }
.LBB2_2:
0x2d: {  	[sflag:s14] =	ssyncadd.s32 $0xFFFFC000;
	s20 =	sadd.s32 $0x80, s20;
	s18 =	sadd.s32 $0x80, s18  }
0x2e: {  	[tilespmem:s16], [sflag:$0x1] =	stream.indirect.gather [hbm4b:s4+s15], $0x80, s20, s15, $0xb8;
	[tilespmem:$0x1E800] =	vst v63  }
0x2f: {  	p1 =	sne.s32 s19, $0x1;
	s19 =	sadd.s32 $0xFFFFFFFF, s19;
	_ =	swait.ge [sflag:s14], $0x4000  }
.Ltmp1:
0x30: {  	[sflag:s14] =	ssyncset.done $0x0;
	(pc) =	sbr.rel @p1 .LBB2_2-.Ltmp1, $4  }
0x31: {  	[sflag:s14] =	ssyncadd.s32 $0xFFFFC000  }
0x32: {  	[spmem:s2] =	stream.indirect.scatter.add.f32 [tilespmem:s16], [sflag:$0x1], $0x80, s18, s15, $0xb8;
	[tilespmem:$0x1E800] =	vst v63  }
0x33: {  	_ =	swait.ge [sflag:s14], $0x4000  }
0x34: {  	[sflag:s14] =	ssyncset.done $0x0  }
.LBB2_3:
0x35: {  	s17 =	sadd.s32 $0x1, s17  }
0x36: {  	[sflag:s14] =	ssyncadd.s32 $0xFFFFC000;
	p1 =	sne.s32 s17, s12  }
.Ltmp2:
0x37: {  	[bflag:$0x0] =	sbarrier.arrive $0xFFFF;
	(pc) =	sbr.rel @p1 .LBB2_1-.Ltmp2, $4  }
0x38: {  	[hbm:s11], [sflag:s6] =	dma.local [spmem:s13], $0x2800  }
0x39: {  	_ =	swait.ge [sflag:s14], $0x2800  }
0x3a: {  	[sflag:s14] =	ssyncset.done $0x0  }
0x3b: {  	[sflag:s14] =	ssyncadd.s32 $0xFFFFD800  }
0x3c: {  	_ =	sfence.sel $0x180000  }
0x3d: {  	[bflag:$0x0] =	sbarrier.arrive $0xFFFF  }
0x3e: {  	p0 =	sne.s32 s1, $0x0;
	_ =	strace $0x9000004D  }
0x3f: {  	s0 =	sadd.s32 @!p0 $0x100000, s0;
	[bflag:$0x2] =	sbarrier.arrive $0xFFFF  }
0x40: {  	[sflag:s0] =	ssyncadd.tile.s32 @!p0 $0x1;
	_ =	shalt  }
.Lfunc_end2:
_tile_overlayer_lowered:
.L_overlay_start_2:
0x41: {  	(tag) =	ssettag $0x2  }
0x42: {  	s0 =	rddreg [dreg:$0x0];
	s2 =	stileid.u32  }
0x43: {  	s1 =	rddreg [dreg:$0x1];
	p0 =	sne.s32 s2, $0x0  }
0x44: {  	s3 =	rddreg [dreg:$0x2];
	[bflag:$0x3] =	sbarrier.arrive $0xFFFF;
	s2 =	simm.s32 @!p0 $0x1C01  }
0x45: {  	[timem:s3], [sflag:s2] =	dma.local @!p0 [hbm:s0], s1  }
0x46: {  	s0 =	simm.s32 @!p0 $0x1  }
0x47: {  	_ =	swait.ge @!p0 [sflag:s0], s1  }
0x48: {  	s1 =	ssub.s32 @!p0 $0x0, s1;
	[sflag:s0] =	ssyncset.done @!p0 $0x0  }
0x49: {  	[sflag:s0] =	ssyncadd.s32 @!p0 s1  }
0x4a: {  	[bflag:$0x3] =	sbarrier.arrive $0xFFFF  }
0x4b: {  	_ =	shalt  }

// kernel: kernel.7.cloned.1.call-start
scs
__scs_entry_jumppad:
0x0: {  	(pc) =	sbr.rel $0x88, $3  }
0x1: {  	(tag) =	ssettag $0x0;
	lr =	simm.s32 $0x1  }
0x2: {  	[smem:$0x3F95] =	sst lr;
	_ =	strace $0xD0000000  }
0x3: {  	_ = 	snop  }
0x4: {  	_ = 	snop  }
0x5: {  	_ = 	snop  }
0x6: {  	_ = 	snop  }
0x7: {  	_ = 	snop  }
__scs_overlays_trampoline_lowered:
0x8: {  	[smem:$0x3FA4] =	sst s0  }
0x9: {  	[smem:$0x3FA5] =	sst s1  }
0xa: {  	[smem:$0x3FA6] =	sst s2  }
0xb: {  	[smem:$0x3FA7] =	sst s3  }
0xc: {  	[smem:$0x3FA8] =	sst s4  }
0xd: {  	[smem:$0x3FA9] =	sst s5  }
0xe: {  	[smem:$0x3FAA] =	sst s6  }
0xf: {  	[smem:$0x3FAB] =	sst s7  }
0x10: {  	[smem:$0x3FAC] =	sst s8  }
0x11: {  	[smem:$0x3FAD] =	sst s9;
	s0 =	simm.s32 @!p0 $0x0  }
0x12: {  	s1 =	sld [smem:$0x3F93];
	s0 =	simm.s32 @p0 $0x1  }
0x13: {  	[smem:$0x3FAE] =	sst s0;
	s0 =	simm.s32 @!p1 $0x0  }
0x14: {  	s2 =	sld [smem:$0x3F92];
	s0 =	simm.s32 @p1 $0x1  }
0x15: {  	[smem:$0x3FAF] =	sst s0;
	s0 =	simm.s32 @!p2 $0x0  }
0x16: {  	s3 =	sld [smem:$0x3FDB];
	s0 =	simm.s32 @p2 $0x1  }
0x17: {  	s4 =	simm.s32 $0x1BF5;
	[smem:$0x3FB1] =	sst s0  }
0x18: {  	s0 =	sld [smem:$0x3F94];
	_ =	swait.ge [sflag:s4], $0x0  }
0x19: {  	s7 =	sld [smem:$0x3F95]  }
0x1a: {  	s8 =	sadd.s32 $0xFFFFE003, lr  }
0x1b: {  	s9 =	sadd.s32 $0xFFFFFEF7, lr;
	s5 =	simm.s32 $0xFFFFFFFF;
	p2 =	slt.u32 s8, $0xFFFFF086  }
0x1c: {  	p1 =	slt.u32 s9, $0xF7A;
	s5 =	simm.s32 @!p2 $0x0  }
0x1d: {  	s5 =	simm.s32 @p1 $0x1;
	p0 =	seq.s32 s7, s2  }
0x1e: {  	s7 =	smul.u32 @!p0 $0xF7A, s2;
	p2 =	seq.s32 @!p0 s5, $0x0  }
0x1f: {  	s9 =	smul.u32 $0xF7A, s1;
	s8 =	simm.s32 @!p0 $0x1BF5;
	p2 =	por !p2, p0  }
0x20: {  	[sflag:s8] =	ssyncset.s32 @!p0 $0xFFFFF086;
	s6 =	sadd.s32 @!p0 s3, s7;
	s7 =	simm.s32 @!p0 $0x108  }
0x21: {  	s3 =	sadd.s32 s3, s9;
	s6 =	sadd.s32 @!p0 $0x88, s6;
	s7 =	simm.s32 @p2 $0x1082  }
0x22: {  	[simem:s7], [sflag:s8] =	dma.local @!p0 [hbm:s6], $0xF7A  }
0x23: {  	s9 =	sor.u32 $0xD0000000, s2;
	s6 =	simm.s32 $0x108;
	_ =	swait.ge @!p0 [sflag:s8], $0x0  }
0x24: {  	s3 =	sadd.s32 $0x88, s3;
	s6 =	simm.s32 @!p1 $0x1082;
	[sflag:s4] =	ssyncset.s32 $0xFFFFF086  }
0x25: {  	[simem:s6], [sflag:s4] =	dma.local [hbm:s3], $0xF7A  }
0x26: {  	[smem:$0x3F95] =	sst s1;
	(tag) =	ssettag s2;
	_ =	strace s9  }
0x27: {  	s1 =	sld [smem:$0x3FA5]  }
0x28: {  	s2 =	sld [smem:$0x3FA6]  }
0x29: {  	s4 =	sld [smem:$0x3FA8]  }
0x2a: {  	p0 =	seq.s32 s5, $0x0;
	s5 =	sld [smem:$0x3FA9]  }
0x2b: {  	s6 =	sld [smem:$0x3FAA]  }
0x2c: {  	s7 =	sld [smem:$0x3FAB]  }
0x2d: {  	s3 =	simm.s32 $0x108;
	s8 =	sld [smem:$0x3FAC]  }
0x2e: {  	s3 =	simm.s32 @!p0 $0x1082;
	s9 =	sld [smem:$0x3FAD]  }
0x2f: {  	lr =	sadd.s32 s0, s3;
	s0 =	sld [smem:$0x3FA4]  }
0x30: {  	s3 =	sld [smem:$0x3FA7]  }
0x31: {  	[smem:$0x3FB0] =	sst s10  }
0x32: {  	s10 =	sld [smem:$0x3FAE];
	_ =	sdelay $0x3  }
0x33: {  	p0 =	seq.s32 s10, $0x1;
	s10 =	sld [smem:$0x3FB0];
	_ =	sdelay $0x3  }
0x34: {  	[smem:$0x3FB0] =	sst s10  }
0x35: {  	s10 =	sld [smem:$0x3FAF];
	_ =	sdelay $0x3  }
0x36: {  	p1 =	seq.s32 s10, $0x1;
	s10 =	sld [smem:$0x3FB0];
	_ =	sdelay $0x3  }
0x37: {  	[smem:$0x3FB0] =	sst s10  }
0x38: {  	s10 =	sld [smem:$0x3FB1]  }
0x39: {  	_ = 	snop;
	(pc) =	sbr.ind lr, $3  }
0x3a: {  	_ = 	snop  }
0x3b: {  	_ = 	snop  }
0x3c: {  	p2 =	seq.s32 s10, $0x1;
	s10 =	sld [smem:$0x3FB0]  }
0x3d: {  	_ =	shalt  }
0x3e: {  	_ =	shalt  }
0x3f: {  	_ =	shalt  }
0x40: {  	_ =	shalt  }
0x41: {  	_ =	shalt  }
0x42: {  	_ =	shalt  }
0x43: {  	_ =	shalt  }
0x44: {  	_ =	shalt  }
0x45: {  	_ =	shalt  }
0x46: {  	_ =	shalt  }
0x47: {  	_ =	shalt  }
0x48: {  	_ =	shalt  }
0x49: {  	_ =	shalt  }
0x4a: {  	_ =	shalt  }
0x4b: {  	_ =	shalt  }
0x4c: {  	_ =	shalt  }
0x4d: {  	_ =	shalt  }
0x4e: {  	_ =	shalt  }
0x4f: {  	_ =	shalt  }
0x50: {  	_ =	shalt  }
0x51: {  	_ =	shalt  }
0x52: {  	_ =	shalt  }
0x53: {  	_ =	shalt  }
0x54: {  	_ =	shalt  }
0x55: {  	_ =	shalt  }
0x56: {  	_ =	shalt  }
0x57: {  	_ =	shalt  }
0x58: {  	_ =	shalt  }
0x59: {  	_ =	shalt  }
0x5a: {  	_ =	shalt  }
0x5b: {  	_ =	shalt  }
0x5c: {  	_ =	shalt  }
0x5d: {  	_ =	shalt  }
0x5e: {  	_ =	shalt  }
0x5f: {  	_ =	shalt  }
0x60: {  	_ =	shalt  }
0x61: {  	_ =	shalt  }
0x62: {  	_ =	shalt  }
0x63: {  	_ =	shalt  }
0x64: {  	_ =	shalt  }
0x65: {  	_ =	shalt  }
0x66: {  	_ =	shalt  }
0x67: {  	_ =	shalt  }
0x68: {  	_ =	shalt  }
0x69: {  	_ =	shalt  }
0x6a: {  	_ =	shalt  }
0x6b: {  	_ =	shalt  }
0x6c: {  	_ =	shalt  }
0x6d: {  	_ =	shalt  }
0x6e: {  	_ =	shalt  }
0x6f: {  	_ =	shalt  }
0x70: {  	_ =	shalt  }
0x71: {  	_ =	shalt  }
0x72: {  	_ =	shalt  }
0x73: {  	_ =	shalt  }
0x74: {  	_ =	shalt  }
0x75: {  	_ =	shalt  }
0x76: {  	_ =	shalt  }
0x77: {  	_ =	shalt  }
0x78: {  	_ =	shalt  }
0x79: {  	_ =	shalt  }
0x7a: {  	_ =	shalt  }
0x7b: {  	_ =	shalt  }
0x7c: {  	_ =	shalt  }
0x7d: {  	_ =	shalt  }
0x7e: {  	_ =	shalt  }
0x7f: {  	_ =	shalt  }
0x80: {  	_ =	shalt  }
0x81: {  	_ =	shalt  }
0x82: {  	_ =	shalt  }
0x83: {  	_ =	shalt  }
0x84: {  	_ =	shalt  }
0x85: {  	_ =	shalt  }
0x86: {  	_ =	shalt  }
0x87: {  	_ =	shalt  }
.Lfunc_end0:
.L_simem_size_0:
called_computation_lowered:
.L_overlay_start_0:
0x88: {  	s2 =	sld [smem:$0x3FD9]  }
0x89: {  	s3 =	sld [smem:$0x3FFE];
	_ =	sdelay $0x1  }
0x8a: {  	s1 =	srdreg.scid  }
0x8b: {  	s0 =	sand.u32 $0x1, s1  }
0x8c: {  	s17 =	sshll.u32 s0, $0xA;
	s2 =	sadd.s32 s3, s2  }
0x8d: {  	s2 =	sadd.s32 s2, s17  }
0x8e: {  	[smem:$0x3FBC] =	sst s2  }
0x8f: {  	_ = 	snop  }
0x90: {  	s18 =	sld [smem:$0x3FD0];
	(tm) =	ssettm $0x1  }
0x91: {  	s19 =	sld [smem:$0x3FFB];
	_ =	sdelay $0x3  }
0x92: {  	_ =	strace s19  }
0x93: {  	s2 =	sld [smem:$0x3FFC];
	_ =	sdelay $0x3  }
0x94: {  	_ =	strace s2  }
0x95: {  	s2 =	sld [smem:$0x3FFD];
	_ =	sdelay $0x3  }
0x96: {  	_ =	strace s2  }
0x97: {  	_ =	strace $0x8FFFFFFF  }
0x98: {  	s20 =	sld [smem:$0x3FDB];
	_ =	sdelay $0x1  }
0x99: {  	s4 =	simm.s32 $_scs_section_size  }
0x9a: {  	s5 =	simm.s32 $_size__tile_overlayer_lowered;
	s6 =	simm.s32 $_tile_overlayer_lowered  }
0x9b: {  	s7 =	simm.s32 $0x1BFF;
	s21 =	sshll.u32 s6, $0x1;
	s4 =	sadd.s32 s4, s20  }
0x9c: {  	s22 =	simm.s32 $0x0;
	s5 =	sshll.u32 s5, $0x1;
	s6 =	sadd.s32 s21, s4  }
0x9d: {  	[timem:s22], [sflag:s7] =	dma.local [hbm:s6], s5  }
0x9e: {  	_ =	swait.ge [sflag:s7], s5  }
0x9f: {  	s5 =	ssub.s32 $0x0, s5;
	[sflag:s7] =	ssyncset.done $0x0  }
0xa0: {  	[sflag:s7] =	ssyncadd.s32 s5;
	_ =	sdelay $0x1  }
0xa1: {  	s23 =	simm.s32 $0x1B8B  }
0xa2: {  	_ =	swait.ge [sflag:s23], $0x1  }
0xa3: {  	[sflag:s23] =	ssyncset.done $0x0  }
0xa4: {  	[sflag:s23] =	ssyncadd.s32 $0xFFFFFFFF  }
0xa5: {  	s5 =	sld [smem:$0x0]  }
0xa6: {  	s6 =	sand.u32 $0xFFFFFFFE, s1  }
0xa7: {  	p0 =	sne.s32 s1, s6  }
0xa8: {  	s6 =	sshll.u32 @p0 s6, $0xE  }
0xa9: {  	s6 =	sadd.s32 @p0 $0x11B8D, s6;
	s7 =	sshll.u32 @p0 s5, $0x11  }
0xaa: {  	s6 =	sor.u32 @p0 s7, s6  }
0xab: {  	[sflag:s6] =	ssyncadd.remote.s32 @p0 $0x1;
	_ =	sdelay $0x1  }
0xac: {  	s6 =	simm.s32 @p0 $0x1B8D  }
0xad: {  	_ =	swait.eq @p0 [sflag:s6], $0x1  }
0xae: {  	[sflag:s6] =	ssyncadd.s32 @p0 $0xFFFFFFFF  }
0xaf: {  	s7 =	sshll.u32 @!p0 s1, $0xE  }
0xb0: {  	s7 =	sor.u32 @!p0 $0x4000, s7;
	s6 =	simm.s32 @!p0 $0x1B8D  }
0xb1: {  	s5 =	sshll.u32 @!p0 s5, $0x11;
	s7 =	sadd.s32 @!p0 $0x11B8D, s7;
	_ =	swait.eq @!p0 [sflag:s6], $0x1  }
0xb2: {  	s5 =	sor.u32 @!p0 s5, s7;
	[sflag:s6] =	ssyncadd.s32 @!p0 $0xFFFFFFFF  }
0xb3: {  	s25 =	simm.s32 $0x1B8E;
	s24 =	sld [smem:$0x3FFE];
	[sflag:s5] =	ssyncadd.remote.s32 @!p0 $0x1  }
0xb4: {  	s26 =	simm.s32 $execute0_lowered;
	[smem:$0x3FD2] =	sst s25  }
0xb5: {  	s6 =	sshll.u32 s26, $0x1;
	_ =	strace $0x80000049;
	[dreg:$0x1] =	wrdreg $0xFFFFFFFF  }
0xb6: {  	s28 =	simm.s32 $_size_execute0_lowered;
	s4 =	sadd.s32 s4, s6;
	[dreg:$0x0] =	wrdreg $0x0  }
0xb7: {  	s6 =	sshll.u32 s28, $0x1;
	[dreg:$0x2] =	wrdreg s4  }
0xb8: {  	[dreg:$0x3] =	wrdreg s6  }
0xb9: {  	[dreg:$0x4] =	wrdreg $0xC0  }
0xba: {  	_ =	task [dreg:s22], $0x5FFFF  }
0xbb: {  	[dreg:$0x1] =	wrdreg $0xFFFFFFFF  }
0xbc: {  	[dreg:$0x0] =	wrdreg $0x60  }
0xbd: {  	[dreg:$0x2] =	wrdreg s18  }
0xbe: {  	[dreg:$0x3] =	wrdreg s24  }
0xbf: {  	[dreg:$0x4] =	wrdreg $0x74000  }
0xc0: {  	[dreg:$0x5] =	wrdreg $0x9  }
0xc1: {  	_ =	task.clear_ibuf [dreg:s22], $0x6FFFF;
	_ =	strace $0x90000049  }
0xc2: {  	s29 =	simm.s32 $0x9;
	_ =	strace $0x8000004B  }
0xc3: {  	_ =	swait.ge [sflag:s29], $0x1  }
0xc4: {  	[sflag:s29] =	ssyncadd.s32 $0xFFFFFFFF  }
0xc5: {  	_ =	strace $0x9000004B  }
0xc6: {  	_ =	sfence  }
0xc7: {  	s30 =	sld [smem:$0x0];
	_ =	sdelay $0x2  }
0xc8: {  	s31 =	sshll.u32 s1, $0xD;
	s1 =	sshrl.u32 s1, $0x2  }
0xc9: {  	s4 =	sand.u32 $0x4000, s31;
	s1 =	sadd.s32 s1, s30  }
0xca: {  	s0 =	sor.u32 s4, s0;
	s1 =	sshll.u32 s1, $0x11  }
0xcb: {  	s0 =	sor.u32 s1, s0  }
0xcc: {  	s0 =	sadd.s32 $0x8F2B, s0  }
0xcd: {  	[sflag:s0] =	ssyncadd.remote.s32 $0x1  }
0xce: {  	_ =	sfence.sel $0xFFFF  }
0xcf: {  	[dreg:$0x0] =	wrdreg $0xFFFFFFFF;
	(pc) =	sbr.abs _section_cstart, $3  }
0xd0: {  	[dreg:$0x1] =	wrdreg $0xFFFFFFFF  }
0xd1: {  	_ =	task.clear_ibuf [dreg:s22], $0x2FFFF;
	_ =	strace $0x9FFFFFFF  }
0xd2: {  	(tm) =	ssettm $0x7FFFFFFF  }
0xd3: {  	_ =	shalt  }
tec
execute0_lowered:
.L_overlay_start_1:
0x0: {  	(tag) =	ssettag $0x1  }
0x1: {  	s7 =	rddreg [dreg:$0x0]  }
0x2: {  	s5 =	rddreg [dreg:$0x1];
	s0 =	stileid.u32  }
0x3: {  	s1 =	srdreg.scid;
	s2 =	rddreg [dreg:$0x2]  }
0x4: {  	s3 =	simm.s32 $0x0;
	s13 =	simm.s32 $0x80;
	s14 =	simm.s32 $0x0  }
0x5: {  	s4 =	smul.u32 $0x14000, s0;
	s6 =	sand.u32 $0x1, s1;
	s1 =	rddreg [dreg:$0x3]  }
0x6: {  	[smem:$0x7FF] =	sst s3;
	s11 =	smul.u32 $0x50000, s0;
	s31 =	sshll.u32 s0, $0x6  }
0x7: {  	s8 =	smul.u32 $0x140000, s6;
	_ =	strace $0x8000004A;
	s10 =	ssub.s32 $0x2, s6  }
0x8: {  	s6 =	sshll.u32 s6, $0x4;
	s9 =	sshrl.u32 s4, $0x3;
	s28 =	sshrl.u32 s10, $0x1  }
0x9: {  	s6 =	sor.u32 s0, s6;
	s29 =	sshrl.u32 s11, $0x2;
	s11 =	simm.s32 $0x1  }
0xa: {  	s8 =	sadd.s32 s4, s8;
	s9 =	sadd.s32 s9, s5;
	s4 =	sadd.s32 $0xB7600, s5  }
0xb: {  	s10 =	ssub.s32 s10, s28;
	s30 =	smul.u32 $0x500, s6;
	s8 =	sshrl.u32 s8, $0x3  }
0xc: {  	s12 =	sadd.s32 s29, s2;
	s6 =	sor.u32 $0x1C01, s31;
	s8 =	sadd.s32 s8, s5  }
0xd: {  	s5 =	sadd.s32 $0x3F600, s9;
	s7 =	sadd.s32 s7, s30;
	s9 =	smax.u32 s10, $0x1  }
0xe: {  	s10 =	sshrl.u32 s12, $0x3;
	s12 =	simm.s32 $0x3400;
	s8 =	sadd.s32 $0xB7E00, s8  }
.LBB2_1:
0xf: {  	[spmem:s10], [sflag:s6] =	dma.local [hbm:s5], $0x2800  }
0x10: {  	_ =	swait.ge [sflag:s11], $0x2800  }
0x11: {  	[sflag:s11] =	ssyncset.done $0x0  }
0x12: {  	[sflag:s11] =	ssyncadd.s32 $0xFFFFD800  }
0x13: {  	[tilespmem:s12], [sflag:$0x1] =	stream.linear.gather [hbm4b:s4+s3], $0x4000, $0x38;
	[tilespmem:$0x1B400] =	vst v63  }
0x14: {  	_ =	swait.ge [sflag:s11], $0x4000  }
0x15: {  	[sflag:s11] =	ssyncset.done $0x0  }
0x16: {  	[sflag:s11] =	ssyncadd.s32 $0xFFFFC000  }
0x17: {  	[tilespmem:s3], [sflag:$0x1] =	stream.linear.gather [hbm4b:s7+s3], $0x2780, $0x38;
	[tilespmem:$0x1B400] =	vst v63  }
0x18: {  	_ =	swait.ge [sflag:s11], $0x2780  }
0x19: {  	[sflag:s11] =	ssyncset.done $0x0  }
0x1a: {  	[sflag:s11] =	ssyncadd.s32 $0xFFFFD880  }
0x1b: {  	s15 =	simm.s32 $0x0;
	[bflag:$0x0] =	sbarrier.arrive $0xFFFF  }
0x1c: {  	[spmem:s2] =	stream.indirect.scatter.add.f32 [tilespmem:s12], [sflag:$0x1], $0x80, s15, s13, $0xb8;
	[tilespmem:$0x1B400] =	vst v63  }
0x1d: {  	_ =	swait.ge [sflag:s11], $0x4000  }
0x1e: {  	s15 =	simm.s32 $0x200;
	[sflag:s11] =	ssyncset.done $0x0  }
.LBB2_2:
0x1f: {  	s16 =	sshra.s32 s15, $0x2;
	[sflag:s11] =	ssyncadd.s32 $0xFFFFC000;
	p0 =	sne.s32 s15, $0x9C00  }
0x20: {  	[spmem:s2] =	stream.indirect.scatter.add.f32 [tilespmem:s12], [sflag:$0x1], $0x80, s16, s13, $0xb8;
	[tilespmem:$0x1B400] =	vst v63  }
.Ltmp0:
0x21: {  	_ = 	snop;
	(pc) =	sbr.rel @p0 .LBB2_2-.Ltmp0, $4  }
0x22: {  	_ = 	snop  }
0x23: {  	s15 =	sadd.s32 $0x200, s15  }
0x24: {  	_ =	swait.ge [sflag:s11], $0x4000  }
0x25: {  	[sflag:s11] =	ssyncset.done $0x0  }
0x26: {  	s14 =	sadd.s32 $0x1, s14  }
0x27: {  	[sflag:s11] =	ssyncadd.s32 $0xFFFFC000;
	p0 =	sne.s32 s14, s9  }
.Ltmp1:
0x28: {  	[bflag:$0x0] =	sbarrier.arrive $0xFFFF;
	(pc) =	sbr.rel @p0 .LBB2_1-.Ltmp1, $4  }
0x29: {  	[hbm:s8], [sflag:s6] =	dma.local [spmem:s10], $0x2800  }
0x2a: {  	_ =	swait.ge [sflag:s11], $0x2800  }
0x2b: {  	[sflag:s11] =	ssyncset.done $0x0  }
0x2c: {  	[sflag:s11] =	ssyncadd.s32 $0xFFFFD800  }
0x2d: {  	_ =	sfence.sel $0x180000  }
0x2e: {  	[bflag:$0x0] =	sbarrier.arrive $0xFFFF  }
0x2f: {  	p0 =	sne.s32 s0, $0x0;
	_ =	strace $0x9000004A  }
0x30: {  	s0 =	sadd.s32 @!p0 $0x100000, s1;
	[bflag:$0x2] =	sbarrier.arrive $0xFFFF  }
0x31: {  	[sflag:s0] =	ssyncadd.tile.s32 @!p0 $0x1;
	_ =	shalt  }
.Lfunc_end2:
_tile_overlayer_lowered:
.L_overlay_start_2:
0x32: {  	(tag) =	ssettag $0x2  }
0x33: {  	s0 =	rddreg [dreg:$0x0];
	s2 =	stileid.u32  }
0x34: {  	s1 =	rddreg [dreg:$0x1];
	p0 =	sne.s32 s2, $0x0  }
0x35: {  	s3 =	rddreg [dreg:$0x2];
	[bflag:$0x3] =	sbarrier.arrive $0xFFFF;
	s2 =	simm.s32 @!p0 $0x1C01  }
0x36: {  	[timem:s3], [sflag:s2] =	dma.local @!p0 [hbm:s0], s1  }
0x37: {  	s0 =	simm.s32 @!p0 $0x1  }
0x38: {  	_ =	swait.ge @!p0 [sflag:s0], s1  }
0x39: {  	s1 =	ssub.s32 @!p0 $0x0, s1;
	[sflag:s0] =	ssyncset.done @!p0 $0x0  }
0x3a: {  	[sflag:s0] =	ssyncadd.s32 @!p0 s1  }
0x3b: {  	[bflag:$0x3] =	sbarrier.arrive $0xFFFF  }
0x3c: {  	_ =	shalt  }

</sc_bundles>
